<compile_context>
chip_gen: v7x
topology: tpu7x:2x2x1
jax: 0.10.2.dev20260603
libtpu: 0.0.44.dev20260713+nightly
codegen_flags: <defaults>
</compile_context>

<pallas_src>
import jax
import jax.numpy as jnp
from jax import lax
from jax.experimental import pallas as pl
from jax.experimental.pallas import tpu as pltpu
from jax.experimental.pallas import tpu_sc as plsc

L_OUT = 384
D = 256
ROWS_PER_WORKER = 12
T_ROWS = 760
WIN_ROWS = 472


def _phase_body(table_ref, t_ref):
    for c in range(8):
        t_ref[c] = table_ref[pl.ds(124 - c, T_ROWS), :]


def _pairwise_body(t_hbm, out_hbm, win, sem):
    c_ax = lax.axis_index("c")
    s_ax = lax.axis_index("s")
    wid = s_ax * 2 + c_ax
    c = wid % 8
    m = wid // 8
    w0 = pl.multiple_of(288 - 96 * m, 8)
    pltpu.sync_copy(t_hbm.at[c, pl.ds(w0, WIN_ROWS)], win)
    copies = []
    for t in range(ROWS_PER_WORKER):
        copies.append(
            pltpu.async_copy(
                win.at[pl.ds(8 * (ROWS_PER_WORKER - 1 - t), L_OUT)],
                out_hbm.at[c + 96 * m + 8 * t],
                sem,
            )
        )
    for cp in copies:
        cp.wait()


def kernel(L, rel_pos_embed):
    t = pl.pallas_call(
        _phase_body,
        out_shape=jax.ShapeDtypeStruct((8, T_ROWS, D), jnp.float32),
    )(rel_pos_embed)
    mesh = plsc.VectorSubcoreMesh(core_axis_name="c", subcore_axis_name="s")
    run = pl.kernel(
        _pairwise_body,
        out_type=jax.ShapeDtypeStruct((L_OUT, L_OUT, D), jnp.float32),
        mesh=mesh,
        scratch_types=[
            pltpu.VMEM((WIN_ROWS, D), jnp.float32),
            pltpu.SemaphoreType.DMA,
        ],
    )
    return run(t)

# --- scband reference (transcript-rebuilt; emitter-appended) ---
"""Pipeline reference for scband-pairwise-positional-encoding-7653631721968 (READ-ONLY COPY).

The authoritative reference and input builder live on the scoring server;
editing this copy changes nothing except your own understanding.
"""

import jax, jax.numpy as jnp
import numpy as np

D_MODEL = 256
MAX_LEN = 500

def setup_inputs(seed: int = 0) -> dict:
    key = jax.random.key(seed)
    rel_pos_embed = jax.random.normal(key, (2 * MAX_LEN + 1, D_MODEL), dtype=jnp.float32)
    return {"L": 384, "rel_pos_embed": rel_pos_embed}

def reference(L, rel_pos_embed):
    pos = jnp.arange(384) + 0 * L
    rel_pos = pos[None, :] - pos[:, None]
    rel_pos = jnp.clip(rel_pos, -MAX_LEN, MAX_LEN) + MAX_LEN
    return jnp.take(rel_pos_embed, rel_pos, axis=0)

if __name__ == "__main__":
    import jax
    _d = setup_inputs()
    print(jax.jit(kernel)(*tuple(_d.values())))

</pallas_src>

<mosaic_0001>
#map = affine_map<(d0, d1) -> (0, 0, 0)>
module attributes {stable_mosaic.version = 14 : i64} {
  func.func @_pairwise_body(%arg0: i32, %arg1: i32, %arg2: memref<8x760x256xf32, #tpu.memory_space<hbm>>, %arg3: memref<384x384x256xf32, #tpu.memory_space<hbm>>, %arg4: memref<472x256xf32, #tpu.memory_space<vmem>>, %arg5: memref<!tpu.dma_semaphore, #tpu.memory_space<semaphore_mem>>) attributes {dimension_semantics = [#tpu.dimension_semantics<core_parallel>, #tpu.dimension_semantics<subcore_parallel>], iteration_bounds = array<i64: 2, 16>, scalar_prefetch = 0 : i64, scratch_operands = 2 : i64, tpu.core_type = #tpu.core_type<sc_vector_subcore>, window_params = [{transform_indices = #map}, {transform_indices = #map}]} {
    %mul3A = arith.constant 2 : i32
    %mul3A_0 = arith.muli %arg1, %mul3A : i32
    %add3A = arith.addi %mul3A_0, %arg0 : i32
    %jit3A = arith.constant 8 : i32
    %eq3A = arith.constant 0 : i32
    %eq3A_1 = arith.cmpi eq, %jit3A, %eq3A : i32
    %jit3A_2 = arith.constant 1 : i32
    %select_n3A = arith.select %eq3A_1, %jit3A_2, %jit3A : i32
    %rem3A = arith.remsi %add3A, %select_n3A : i32
    %ne3A = arith.constant 0 : i32
    %ne3A_3 = arith.cmpi ne, %rem3A, %ne3A : i32
    %lt3A = arith.constant 0 : i32
    %lt3A_4 = arith.cmpi slt, %rem3A, %lt3A : i32
    %lt3A_5 = arith.constant 0 : i32
    %lt3A_6 = arith.cmpi slt, %select_n3A, %lt3A_5 : i32
    %ne3A_7 = arith.xori %lt3A_4, %lt3A_6 : i1
    %and3A = arith.andi %ne3A_7, %ne3A_3 : i1
    %add3A_8 = arith.addi %rem3A, %select_n3A : i32
    %select_n3A_9 = arith.select %and3A, %add3A_8, %rem3A : i32
    %jit3A_10 = arith.constant 8 : i32
    %div3A = arith.divsi %add3A, %jit3A_10 : i32
    %sign3A = arith.constant 0 : i32
    %sign3A_11 = arith.cmpi sgt, %add3A, %sign3A : i32
    %sign3A_12 = arith.extui %sign3A_11 : i1 to i32
    %sign3A_13 = arith.constant 0 : i32
    %sign3A_14 = arith.cmpi slt, %add3A, %sign3A_13 : i32
    %sign3A_15 = arith.extui %sign3A_14 : i1 to i32
    %sign3A_16 = arith.subi %sign3A_12, %sign3A_15 : i32
    %sign3A_17 = arith.constant 0 : i32
    %sign3A_18 = arith.cmpi sgt, %jit3A_10, %sign3A_17 : i32
    %sign3A_19 = arith.extui %sign3A_18 : i1 to i32
    %sign3A_20 = arith.constant 0 : i32
    %sign3A_21 = arith.cmpi slt, %jit3A_10, %sign3A_20 : i32
    %sign3A_22 = arith.extui %sign3A_21 : i1 to i32
    %sign3A_23 = arith.subi %sign3A_19, %sign3A_22 : i32
    %ne3A_24 = arith.cmpi ne, %sign3A_16, %sign3A_23 : i32
    %rem3A_25 = arith.remsi %add3A, %jit3A_10 : i32
    %ne3A_26 = arith.constant 0 : i32
    %ne3A_27 = arith.cmpi ne, %rem3A_25, %ne3A_26 : i32
    %and3A_28 = arith.andi %ne3A_24, %ne3A_27 : i1
    %sub3A = arith.constant 1 : i32
    %sub3A_29 = arith.subi %div3A, %sub3A : i32
    %select_n3A_30 = arith.select %and3A_28, %sub3A_29, %div3A : i32
    %mul3A_31 = arith.constant 96 : i32
    %mul3A_32 = arith.muli %mul3A_31, %select_n3A_30 : i32
    %sub3A_33 = arith.constant 288 : i32
    %sub3A_34 = arith.subi %sub3A_33, %mul3A_32 : i32
    %multiple_of3A = tpu.assume_multiple %sub3A_34, 8 : i32
    "tpu.region"() ({
      %run_scoped3A = tpu.sem_alloc : memref<!tpu.dma_semaphore, #tpu.memory_space<semaphore_mem>>
      %dma_start3A_429 = arith.constant 0 : i32
      %dma_start3A_430 = tpu.memref_slice %arg2[%select_n3A_9, %multiple_of3A, %dma_start3A_429] : memref<8x760x256xf32, #tpu.memory_space<hbm>> -> memref<1x472x256xf32, #tpu.memory_space<hbm>>
      %dma_start3A_431 = tpu.memref_squeeze %dma_start3A_430 : memref<1x472x256xf32, #tpu.memory_space<hbm>> -> memref<472x256xf32, #tpu.memory_space<hbm>>
      %dma_start3A_432 = arith.constant 0 : i32
      %dma_start3A_433 = tpu.memref_slice %arg2[%select_n3A_9, %multiple_of3A, %dma_start3A_432] : memref<8x760x256xf32, #tpu.memory_space<hbm>> -> memref<1x472x256xf32, #tpu.memory_space<hbm>>
      %dma_start3A_434 = tpu.memref_squeeze %dma_start3A_433 : memref<1x472x256xf32, #tpu.memory_space<hbm>> -> memref<472x256xf32, #tpu.memory_space<hbm>>
      tpu.enqueue_dma source(%dma_start3A_434 : memref<472x256xf32, #tpu.memory_space<hbm>>) target(%arg4 : memref<472x256xf32, #tpu.memory_space<vmem>>) target_semaphore(%run_scoped3A : memref<!tpu.dma_semaphore, #tpu.memory_space<semaphore_mem>>)
      %dma_wait3A_435 = arith.constant 0 : i32
      %dma_wait3A_436 = tpu.memref_slice %arg2[%select_n3A_9, %multiple_of3A, %dma_wait3A_435] : memref<8x760x256xf32, #tpu.memory_space<hbm>> -> memref<1x472x256xf32, #tpu.memory_space<hbm>>
      %dma_wait3A_437 = tpu.memref_squeeze %dma_wait3A_436 : memref<1x472x256xf32, #tpu.memory_space<hbm>> -> memref<472x256xf32, #tpu.memory_space<hbm>>
      %dma_wait3A_438 = arith.constant 0 : i32
      %dma_wait3A_439 = tpu.memref_slice %arg2[%select_n3A_9, %multiple_of3A, %dma_wait3A_438] : memref<8x760x256xf32, #tpu.memory_space<hbm>> -> memref<1x472x256xf32, #tpu.memory_space<hbm>>
      %dma_wait3A_440 = tpu.memref_squeeze %dma_wait3A_439 : memref<1x472x256xf32, #tpu.memory_space<hbm>> -> memref<472x256xf32, #tpu.memory_space<hbm>>
      tpu.wait_dma2 semaphore(%run_scoped3A : memref<!tpu.dma_semaphore, #tpu.memory_space<semaphore_mem>>) src(%dma_wait3A_440 : memref<472x256xf32, #tpu.memory_space<hbm>>) dst(%arg4 : memref<472x256xf32, #tpu.memory_space<vmem>>)
      tpu.yield
    }) : () -> ()
    %mul3A_35 = arith.constant 96 : i32
    %mul3A_36 = arith.muli %mul3A_35, %select_n3A_30 : i32
    %add3A_37 = arith.addi %select_n3A_9, %mul3A_36 : i32
    %add3A_38 = arith.constant 0 : i32
    %add3A_39 = arith.addi %add3A_37, %add3A_38 : i32
    %dma_start3A = arith.constant 88 : i32
    %dma_start3A_40 = arith.constant 0 : i32
    %dma_start3A_41 = tpu.memref_slice %arg4[%dma_start3A, %dma_start3A_40] : memref<472x256xf32, #tpu.memory_space<vmem>> -> memref<384x256xf32, #tpu.memory_space<vmem>>
    %dma_start3A_42 = arith.constant 0 : i32
    %dma_start3A_43 = arith.constant 0 : i32
    %dma_start3A_44 = tpu.memref_slice %arg3[%add3A_39, %dma_start3A_42, %dma_start3A_43] : memref<384x384x256xf32, #tpu.memory_space<hbm>> -> memref<1x384x256xf32, #tpu.memory_space<hbm>>
    %dma_start3A_45 = tpu.memref_squeeze %dma_start3A_44 : memref<1x384x256xf32, #tpu.memory_space<hbm>> -> memref<384x256xf32, #tpu.memory_space<hbm>>
    %dma_start3A_46 = arith.constant 0 : i32
    %dma_start3A_47 = arith.constant 0 : i32
    %dma_start3A_48 = tpu.memref_slice %arg3[%add3A_39, %dma_start3A_46, %dma_start3A_47] : memref<384x384x256xf32, #tpu.memory_space<hbm>> -> memref<1x384x256xf32, #tpu.memory_space<hbm>>
    %dma_start3A_49 = tpu.memref_squeeze %dma_start3A_48 : memref<1x384x256xf32, #tpu.memory_space<hbm>> -> memref<384x256xf32, #tpu.memory_space<hbm>>
    %dma_start3A_50 = arith.constant 88 : i32
    %dma_start3A_51 = arith.constant 0 : i32
    %dma_start3A_52 = tpu.memref_slice %arg4[%dma_start3A_50, %dma_start3A_51] : memref<472x256xf32, #tpu.memory_space<vmem>> -> memref<384x256xf32, #tpu.memory_space<vmem>>
    tpu.enqueue_dma source(%dma_start3A_52 : memref<384x256xf32, #tpu.memory_space<vmem>>) target(%dma_start3A_49 : memref<384x256xf32, #tpu.memory_space<hbm>>) target_semaphore(%arg5 : memref<!tpu.dma_semaphore, #tpu.memory_space<semaphore_mem>>)
    %mul3A_53 = arith.constant 96 : i32
    %mul3A_54 = arith.muli %mul3A_53, %select_n3A_30 : i32
    %add3A_55 = arith.addi %select_n3A_9, %mul3A_54 : i32
    %add3A_56 = arith.constant 8 : i32
    %add3A_57 = arith.addi %add3A_55, %add3A_56 : i32
    %dma_start3A_58 = arith.constant 80 : i32
    %dma_start3A_59 = arith.constant 0 : i32
    %dma_start3A_60 = tpu.memref_slice %arg4[%dma_start3A_58, %dma_start3A_59] : memref<472x256xf32, #tpu.memory_space<vmem>> -> memref<384x256xf32, #tpu.memory_space<vmem>>
    %dma_start3A_61 = arith.constant 0 : i32
    %dma_start3A_62 = arith.constant 0 : i32
    %dma_start3A_63 = tpu.memref_slice %arg3[%add3A_57, %dma_start3A_61, %dma_start3A_62] : memref<384x384x256xf32, #tpu.memory_space<hbm>> -> memref<1x384x256xf32, #tpu.memory_space<hbm>>
    %dma_start3A_64 = tpu.memref_squeeze %dma_start3A_63 : memref<1x384x256xf32, #tpu.memory_space<hbm>> -> memref<384x256xf32, #tpu.memory_space<hbm>>
    %dma_start3A_65 = arith.constant 0 : i32
    %dma_start3A_66 = arith.constant 0 : i32
    %dma_start3A_67 = tpu.memref_slice %arg3[%add3A_57, %dma_start3A_65, %dma_start3A_66] : memref<384x384x256xf32, #tpu.memory_space<hbm>> -> memref<1x384x256xf32, #tpu.memory_space<hbm>>
    %dma_start3A_68 = tpu.memref_squeeze %dma_start3A_67 : memref<1x384x256xf32, #tpu.memory_space<hbm>> -> memref<384x256xf32, #tpu.memory_space<hbm>>
    %dma_start3A_69 = arith.constant 80 : i32
    %dma_start3A_70 = arith.constant 0 : i32
    %dma_start3A_71 = tpu.memref_slice %arg4[%dma_start3A_69, %dma_start3A_70] : memref<472x256xf32, #tpu.memory_space<vmem>> -> memref<384x256xf32, #tpu.memory_space<vmem>>
    tpu.enqueue_dma source(%dma_start3A_71 : memref<384x256xf32, #tpu.memory_space<vmem>>) target(%dma_start3A_68 : memref<384x256xf32, #tpu.memory_space<hbm>>) target_semaphore(%arg5 : memref<!tpu.dma_semaphore, #tpu.memory_space<semaphore_mem>>)
    %mul3A_72 = arith.constant 96 : i32
    %mul3A_73 = arith.muli %mul3A_72, %select_n3A_30 : i32
    %add3A_74 = arith.addi %select_n3A_9, %mul3A_73 : i32
    %add3A_75 = arith.constant 16 : i32
    %add3A_76 = arith.addi %add3A_74, %add3A_75 : i32
    %dma_start3A_77 = arith.constant 72 : i32
    %dma_start3A_78 = arith.constant 0 : i32
    %dma_start3A_79 = tpu.memref_slice %arg4[%dma_start3A_77, %dma_start3A_78] : memref<472x256xf32, #tpu.memory_space<vmem>> -> memref<384x256xf32, #tpu.memory_space<vmem>>
    %dma_start3A_80 = arith.constant 0 : i32
    %dma_start3A_81 = arith.constant 0 : i32
    %dma_start3A_82 = tpu.memref_slice %arg3[%add3A_76, %dma_start3A_80, %dma_start3A_81] : memref<384x384x256xf32, #tpu.memory_space<hbm>> -> memref<1x384x256xf32, #tpu.memory_space<hbm>>
    %dma_start3A_83 = tpu.memref_squeeze %dma_start3A_82 : memref<1x384x256xf32, #tpu.memory_space<hbm>> -> memref<384x256xf32, #tpu.memory_space<hbm>>
    %dma_start3A_84 = arith.constant 0 : i32
    %dma_start3A_85 = arith.constant 0 : i32
    %dma_start3A_86 = tpu.memref_slice %arg3[%add3A_76, %dma_start3A_84, %dma_start3A_85] : memref<384x384x256xf32, #tpu.memory_space<hbm>> -> memref<1x384x256xf32, #tpu.memory_space<hbm>>
    %dma_start3A_87 = tpu.memref_squeeze %dma_start3A_86 : memref<1x384x256xf32, #tpu.memory_space<hbm>> -> memref<384x256xf32, #tpu.memory_space<hbm>>
    %dma_start3A_88 = arith.constant 72 : i32
    %dma_start3A_89 = arith.constant 0 : i32
    %dma_start3A_90 = tpu.memref_slice %arg4[%dma_start3A_88, %dma_start3A_89] : memref<472x256xf32, #tpu.memory_space<vmem>> -> memref<384x256xf32, #tpu.memory_space<vmem>>
    tpu.enqueue_dma source(%dma_start3A_90 : memref<384x256xf32, #tpu.memory_space<vmem>>) target(%dma_start3A_87 : memref<384x256xf32, #tpu.memory_space<hbm>>) target_semaphore(%arg5 : memref<!tpu.dma_semaphore, #tpu.memory_space<semaphore_mem>>)
    %mul3A_91 = arith.constant 96 : i32
    %mul3A_92 = arith.muli %mul3A_91, %select_n3A_30 : i32
    %add3A_93 = arith.addi %select_n3A_9, %mul3A_92 : i32
    %add3A_94 = arith.constant 24 : i32
    %add3A_95 = arith.addi %add3A_93, %add3A_94 : i32
    %dma_start3A_96 = arith.constant 64 : i32
    %dma_start3A_97 = arith.constant 0 : i32
    %dma_start3A_98 = tpu.memref_slice %arg4[%dma_start3A_96, %dma_start3A_97] : memref<472x256xf32, #tpu.memory_space<vmem>> -> memref<384x256xf32, #tpu.memory_space<vmem>>
    %dma_start3A_99 = arith.constant 0 : i32
    %dma_start3A_100 = arith.constant 0 : i32
    %dma_start3A_101 = tpu.memref_slice %arg3[%add3A_95, %dma_start3A_99, %dma_start3A_100] : memref<384x384x256xf32, #tpu.memory_space<hbm>> -> memref<1x384x256xf32, #tpu.memory_space<hbm>>
    %dma_start3A_102 = tpu.memref_squeeze %dma_start3A_101 : memref<1x384x256xf32, #tpu.memory_space<hbm>> -> memref<384x256xf32, #tpu.memory_space<hbm>>
    %dma_start3A_103 = arith.constant 0 : i32
    %dma_start3A_104 = arith.constant 0 : i32
    %dma_start3A_105 = tpu.memref_slice %arg3[%add3A_95, %dma_start3A_103, %dma_start3A_104] : memref<384x384x256xf32, #tpu.memory_space<hbm>> -> memref<1x384x256xf32, #tpu.memory_space<hbm>>
    %dma_start3A_106 = tpu.memref_squeeze %dma_start3A_105 : memref<1x384x256xf32, #tpu.memory_space<hbm>> -> memref<384x256xf32, #tpu.memory_space<hbm>>
    %dma_start3A_107 = arith.constant 64 : i32
    %dma_start3A_108 = arith.constant 0 : i32
    %dma_start3A_109 = tpu.memref_slice %arg4[%dma_start3A_107, %dma_start3A_108] : memref<472x256xf32, #tpu.memory_space<vmem>> -> memref<384x256xf32, #tpu.memory_space<vmem>>
    tpu.enqueue_dma source(%dma_start3A_109 : memref<384x256xf32, #tpu.memory_space<vmem>>) target(%dma_start3A_106 : memref<384x256xf32, #tpu.memory_space<hbm>>) target_semaphore(%arg5 : memref<!tpu.dma_semaphore, #tpu.memory_space<semaphore_mem>>)
    %mul3A_110 = arith.constant 96 : i32
    %mul3A_111 = arith.muli %mul3A_110, %select_n3A_30 : i32
    %add3A_112 = arith.addi %select_n3A_9, %mul3A_111 : i32
    %add3A_113 = arith.constant 32 : i32
    %add3A_114 = arith.addi %add3A_112, %add3A_113 : i32
    %dma_start3A_115 = arith.constant 56 : i32
    %dma_start3A_116 = arith.constant 0 : i32
    %dma_start3A_117 = tpu.memref_slice %arg4[%dma_start3A_115, %dma_start3A_116] : memref<472x256xf32, #tpu.memory_space<vmem>> -> memref<384x256xf32, #tpu.memory_space<vmem>>
    %dma_start3A_118 = arith.constant 0 : i32
    %dma_start3A_119 = arith.constant 0 : i32
    %dma_start3A_120 = tpu.memref_slice %arg3[%add3A_114, %dma_start3A_118, %dma_start3A_119] : memref<384x384x256xf32, #tpu.memory_space<hbm>> -> memref<1x384x256xf32, #tpu.memory_space<hbm>>
    %dma_start3A_121 = tpu.memref_squeeze %dma_start3A_120 : memref<1x384x256xf32, #tpu.memory_space<hbm>> -> memref<384x256xf32, #tpu.memory_space<hbm>>
    %dma_start3A_122 = arith.constant 0 : i32
    %dma_start3A_123 = arith.constant 0 : i32
    %dma_start3A_124 = tpu.memref_slice %arg3[%add3A_114, %dma_start3A_122, %dma_start3A_123] : memref<384x384x256xf32, #tpu.memory_space<hbm>> -> memref<1x384x256xf32, #tpu.memory_space<hbm>>
    %dma_start3A_125 = tpu.memref_squeeze %dma_start3A_124 : memref<1x384x256xf32, #tpu.memory_space<hbm>> -> memref<384x256xf32, #tpu.memory_space<hbm>>
    %dma_start3A_126 = arith.constant 56 : i32
    %dma_start3A_127 = arith.constant 0 : i32
    %dma_start3A_128 = tpu.memref_slice %arg4[%dma_start3A_126, %dma_start3A_127] : memref<472x256xf32, #tpu.memory_space<vmem>> -> memref<384x256xf32, #tpu.memory_space<vmem>>
    tpu.enqueue_dma source(%dma_start3A_128 : memref<384x256xf32, #tpu.memory_space<vmem>>) target(%dma_start3A_125 : memref<384x256xf32, #tpu.memory_space<hbm>>) target_semaphore(%arg5 : memref<!tpu.dma_semaphore, #tpu.memory_space<semaphore_mem>>)
    %mul3A_129 = arith.constant 96 : i32
    %mul3A_130 = arith.muli %mul3A_129, %select_n3A_30 : i32
    %add3A_131 = arith.addi %select_n3A_9, %mul3A_130 : i32
    %add3A_132 = arith.constant 40 : i32
    %add3A_133 = arith.addi %add3A_131, %add3A_132 : i32
    %dma_start3A_134 = arith.constant 48 : i32
    %dma_start3A_135 = arith.constant 0 : i32
    %dma_start3A_136 = tpu.memref_slice %arg4[%dma_start3A_134, %dma_start3A_135] : memref<472x256xf32, #tpu.memory_space<vmem>> -> memref<384x256xf32, #tpu.memory_space<vmem>>
    %dma_start3A_137 = arith.constant 0 : i32
    %dma_start3A_138 = arith.constant 0 : i32
    %dma_start3A_139 = tpu.memref_slice %arg3[%add3A_133, %dma_start3A_137, %dma_start3A_138] : memref<384x384x256xf32, #tpu.memory_space<hbm>> -> memref<1x384x256xf32, #tpu.memory_space<hbm>>
    %dma_start3A_140 = tpu.memref_squeeze %dma_start3A_139 : memref<1x384x256xf32, #tpu.memory_space<hbm>> -> memref<384x256xf32, #tpu.memory_space<hbm>>
    %dma_start3A_141 = arith.constant 0 : i32
    %dma_start3A_142 = arith.constant 0 : i32
    %dma_start3A_143 = tpu.memref_slice %arg3[%add3A_133, %dma_start3A_141, %dma_start3A_142] : memref<384x384x256xf32, #tpu.memory_space<hbm>> -> memref<1x384x256xf32, #tpu.memory_space<hbm>>
    %dma_start3A_144 = tpu.memref_squeeze %dma_start3A_143 : memref<1x384x256xf32, #tpu.memory_space<hbm>> -> memref<384x256xf32, #tpu.memory_space<hbm>>
    %dma_start3A_145 = arith.constant 48 : i32
    %dma_start3A_146 = arith.constant 0 : i32
    %dma_start3A_147 = tpu.memref_slice %arg4[%dma_start3A_145, %dma_start3A_146] : memref<472x256xf32, #tpu.memory_space<vmem>> -> memref<384x256xf32, #tpu.memory_space<vmem>>
    tpu.enqueue_dma source(%dma_start3A_147 : memref<384x256xf32, #tpu.memory_space<vmem>>) target(%dma_start3A_144 : memref<384x256xf32, #tpu.memory_space<hbm>>) target_semaphore(%arg5 : memref<!tpu.dma_semaphore, #tpu.memory_space<semaphore_mem>>)
    %mul3A_148 = arith.constant 96 : i32
    %mul3A_149 = arith.muli %mul3A_148, %select_n3A_30 : i32
    %add3A_150 = arith.addi %select_n3A_9, %mul3A_149 : i32
    %add3A_151 = arith.constant 48 : i32
    %add3A_152 = arith.addi %add3A_150, %add3A_151 : i32
    %dma_start3A_153 = arith.constant 40 : i32
    %dma_start3A_154 = arith.constant 0 : i32
    %dma_start3A_155 = tpu.memref_slice %arg4[%dma_start3A_153, %dma_start3A_154] : memref<472x256xf32, #tpu.memory_space<vmem>> -> memref<384x256xf32, #tpu.memory_space<vmem>>
    %dma_start3A_156 = arith.constant 0 : i32
    %dma_start3A_157 = arith.constant 0 : i32
    %dma_start3A_158 = tpu.memref_slice %arg3[%add3A_152, %dma_start3A_156, %dma_start3A_157] : memref<384x384x256xf32, #tpu.memory_space<hbm>> -> memref<1x384x256xf32, #tpu.memory_space<hbm>>
    %dma_start3A_159 = tpu.memref_squeeze %dma_start3A_158 : memref<1x384x256xf32, #tpu.memory_space<hbm>> -> memref<384x256xf32, #tpu.memory_space<hbm>>
    %dma_start3A_160 = arith.constant 0 : i32
    %dma_start3A_161 = arith.constant 0 : i32
    %dma_start3A_162 = tpu.memref_slice %arg3[%add3A_152, %dma_start3A_160, %dma_start3A_161] : memref<384x384x256xf32, #tpu.memory_space<hbm>> -> memref<1x384x256xf32, #tpu.memory_space<hbm>>
    %dma_start3A_163 = tpu.memref_squeeze %dma_start3A_162 : memref<1x384x256xf32, #tpu.memory_space<hbm>> -> memref<384x256xf32, #tpu.memory_space<hbm>>
    %dma_start3A_164 = arith.constant 40 : i32
    %dma_start3A_165 = arith.constant 0 : i32
    %dma_start3A_166 = tpu.memref_slice %arg4[%dma_start3A_164, %dma_start3A_165] : memref<472x256xf32, #tpu.memory_space<vmem>> -> memref<384x256xf32, #tpu.memory_space<vmem>>
    tpu.enqueue_dma source(%dma_start3A_166 : memref<384x256xf32, #tpu.memory_space<vmem>>) target(%dma_start3A_163 : memref<384x256xf32, #tpu.memory_space<hbm>>) target_semaphore(%arg5 : memref<!tpu.dma_semaphore, #tpu.memory_space<semaphore_mem>>)
    %mul3A_167 = arith.constant 96 : i32
    %mul3A_168 = arith.muli %mul3A_167, %select_n3A_30 : i32
    %add3A_169 = arith.addi %select_n3A_9, %mul3A_168 : i32
    %add3A_170 = arith.constant 56 : i32
    %add3A_171 = arith.addi %add3A_169, %add3A_170 : i32
    %dma_start3A_172 = arith.constant 32 : i32
    %dma_start3A_173 = arith.constant 0 : i32
    %dma_start3A_174 = tpu.memref_slice %arg4[%dma_start3A_172, %dma_start3A_173] : memref<472x256xf32, #tpu.memory_space<vmem>> -> memref<384x256xf32, #tpu.memory_space<vmem>>
    %dma_start3A_175 = arith.constant 0 : i32
    %dma_start3A_176 = arith.constant 0 : i32
    %dma_start3A_177 = tpu.memref_slice %arg3[%add3A_171, %dma_start3A_175, %dma_start3A_176] : memref<384x384x256xf32, #tpu.memory_space<hbm>> -> memref<1x384x256xf32, #tpu.memory_space<hbm>>
    %dma_start3A_178 = tpu.memref_squeeze %dma_start3A_177 : memref<1x384x256xf32, #tpu.memory_space<hbm>> -> memref<384x256xf32, #tpu.memory_space<hbm>>
    %dma_start3A_179 = arith.constant 0 : i32
    %dma_start3A_180 = arith.constant 0 : i32
    %dma_start3A_181 = tpu.memref_slice %arg3[%add3A_171, %dma_start3A_179, %dma_start3A_180] : memref<384x384x256xf32, #tpu.memory_space<hbm>> -> memref<1x384x256xf32, #tpu.memory_space<hbm>>
    %dma_start3A_182 = tpu.memref_squeeze %dma_start3A_181 : memref<1x384x256xf32, #tpu.memory_space<hbm>> -> memref<384x256xf32, #tpu.memory_space<hbm>>
    %dma_start3A_183 = arith.constant 32 : i32
    %dma_start3A_184 = arith.constant 0 : i32
    %dma_start3A_185 = tpu.memref_slice %arg4[%dma_start3A_183, %dma_start3A_184] : memref<472x256xf32, #tpu.memory_space<vmem>> -> memref<384x256xf32, #tpu.memory_space<vmem>>
    tpu.enqueue_dma source(%dma_start3A_185 : memref<384x256xf32, #tpu.memory_space<vmem>>) target(%dma_start3A_182 : memref<384x256xf32, #tpu.memory_space<hbm>>) target_semaphore(%arg5 : memref<!tpu.dma_semaphore, #tpu.memory_space<semaphore_mem>>)
    %mul3A_186 = arith.constant 96 : i32
    %mul3A_187 = arith.muli %mul3A_186, %select_n3A_30 : i32
    %add3A_188 = arith.addi %select_n3A_9, %mul3A_187 : i32
    %add3A_189 = arith.constant 64 : i32
    %add3A_190 = arith.addi %add3A_188, %add3A_189 : i32
    %dma_start3A_191 = arith.constant 24 : i32
    %dma_start3A_192 = arith.constant 0 : i32
    %dma_start3A_193 = tpu.memref_slice %arg4[%dma_start3A_191, %dma_start3A_192] : memref<472x256xf32, #tpu.memory_space<vmem>> -> memref<384x256xf32, #tpu.memory_space<vmem>>
    %dma_start3A_194 = arith.constant 0 : i32
    %dma_start3A_195 = arith.constant 0 : i32
    %dma_start3A_196 = tpu.memref_slice %arg3[%add3A_190, %dma_start3A_194, %dma_start3A_195] : memref<384x384x256xf32, #tpu.memory_space<hbm>> -> memref<1x384x256xf32, #tpu.memory_space<hbm>>
    %dma_start3A_197 = tpu.memref_squeeze %dma_start3A_196 : memref<1x384x256xf32, #tpu.memory_space<hbm>> -> memref<384x256xf32, #tpu.memory_space<hbm>>
    %dma_start3A_198 = arith.constant 0 : i32
    %dma_start3A_199 = arith.constant 0 : i32
    %dma_start3A_200 = tpu.memref_slice %arg3[%add3A_190, %dma_start3A_198, %dma_start3A_199] : memref<384x384x256xf32, #tpu.memory_space<hbm>> -> memref<1x384x256xf32, #tpu.memory_space<hbm>>
    %dma_start3A_201 = tpu.memref_squeeze %dma_start3A_200 : memref<1x384x256xf32, #tpu.memory_space<hbm>> -> memref<384x256xf32, #tpu.memory_space<hbm>>
    %dma_start3A_202 = arith.constant 24 : i32
    %dma_start3A_203 = arith.constant 0 : i32
    %dma_start3A_204 = tpu.memref_slice %arg4[%dma_start3A_202, %dma_start3A_203] : memref<472x256xf32, #tpu.memory_space<vmem>> -> memref<384x256xf32, #tpu.memory_space<vmem>>
    tpu.enqueue_dma source(%dma_start3A_204 : memref<384x256xf32, #tpu.memory_space<vmem>>) target(%dma_start3A_201 : memref<384x256xf32, #tpu.memory_space<hbm>>) target_semaphore(%arg5 : memref<!tpu.dma_semaphore, #tpu.memory_space<semaphore_mem>>)
    %mul3A_205 = arith.constant 96 : i32
    %mul3A_206 = arith.muli %mul3A_205, %select_n3A_30 : i32
    %add3A_207 = arith.addi %select_n3A_9, %mul3A_206 : i32
    %add3A_208 = arith.constant 72 : i32
    %add3A_209 = arith.addi %add3A_207, %add3A_208 : i32
    %dma_start3A_210 = arith.constant 16 : i32
    %dma_start3A_211 = arith.constant 0 : i32
    %dma_start3A_212 = tpu.memref_slice %arg4[%dma_start3A_210, %dma_start3A_211] : memref<472x256xf32, #tpu.memory_space<vmem>> -> memref<384x256xf32, #tpu.memory_space<vmem>>
    %dma_start3A_213 = arith.constant 0 : i32
    %dma_start3A_214 = arith.constant 0 : i32
    %dma_start3A_215 = tpu.memref_slice %arg3[%add3A_209, %dma_start3A_213, %dma_start3A_214] : memref<384x384x256xf32, #tpu.memory_space<hbm>> -> memref<1x384x256xf32, #tpu.memory_space<hbm>>
    %dma_start3A_216 = tpu.memref_squeeze %dma_start3A_215 : memref<1x384x256xf32, #tpu.memory_space<hbm>> -> memref<384x256xf32, #tpu.memory_space<hbm>>
    %dma_start3A_217 = arith.constant 0 : i32
    %dma_start3A_218 = arith.constant 0 : i32
    %dma_start3A_219 = tpu.memref_slice %arg3[%add3A_209, %dma_start3A_217, %dma_start3A_218] : memref<384x384x256xf32, #tpu.memory_space<hbm>> -> memref<1x384x256xf32, #tpu.memory_space<hbm>>
    %dma_start3A_220 = tpu.memref_squeeze %dma_start3A_219 : memref<1x384x256xf32, #tpu.memory_space<hbm>> -> memref<384x256xf32, #tpu.memory_space<hbm>>
    %dma_start3A_221 = arith.constant 16 : i32
    %dma_start3A_222 = arith.constant 0 : i32
    %dma_start3A_223 = tpu.memref_slice %arg4[%dma_start3A_221, %dma_start3A_222] : memref<472x256xf32, #tpu.memory_space<vmem>> -> memref<384x256xf32, #tpu.memory_space<vmem>>
    tpu.enqueue_dma source(%dma_start3A_223 : memref<384x256xf32, #tpu.memory_space<vmem>>) target(%dma_start3A_220 : memref<384x256xf32, #tpu.memory_space<hbm>>) target_semaphore(%arg5 : memref<!tpu.dma_semaphore, #tpu.memory_space<semaphore_mem>>)
    %mul3A_224 = arith.constant 96 : i32
    %mul3A_225 = arith.muli %mul3A_224, %select_n3A_30 : i32
    %add3A_226 = arith.addi %select_n3A_9, %mul3A_225 : i32
    %add3A_227 = arith.constant 80 : i32
    %add3A_228 = arith.addi %add3A_226, %add3A_227 : i32
    %dma_start3A_229 = arith.constant 8 : i32
    %dma_start3A_230 = arith.constant 0 : i32
    %dma_start3A_231 = tpu.memref_slice %arg4[%dma_start3A_229, %dma_start3A_230] : memref<472x256xf32, #tpu.memory_space<vmem>> -> memref<384x256xf32, #tpu.memory_space<vmem>>
    %dma_start3A_232 = arith.constant 0 : i32
    %dma_start3A_233 = arith.constant 0 : i32
    %dma_start3A_234 = tpu.memref_slice %arg3[%add3A_228, %dma_start3A_232, %dma_start3A_233] : memref<384x384x256xf32, #tpu.memory_space<hbm>> -> memref<1x384x256xf32, #tpu.memory_space<hbm>>
    %dma_start3A_235 = tpu.memref_squeeze %dma_start3A_234 : memref<1x384x256xf32, #tpu.memory_space<hbm>> -> memref<384x256xf32, #tpu.memory_space<hbm>>
    %dma_start3A_236 = arith.constant 0 : i32
    %dma_start3A_237 = arith.constant 0 : i32
    %dma_start3A_238 = tpu.memref_slice %arg3[%add3A_228, %dma_start3A_236, %dma_start3A_237] : memref<384x384x256xf32, #tpu.memory_space<hbm>> -> memref<1x384x256xf32, #tpu.memory_space<hbm>>
    %dma_start3A_239 = tpu.memref_squeeze %dma_start3A_238 : memref<1x384x256xf32, #tpu.memory_space<hbm>> -> memref<384x256xf32, #tpu.memory_space<hbm>>
    %dma_start3A_240 = arith.constant 8 : i32
    %dma_start3A_241 = arith.constant 0 : i32
    %dma_start3A_242 = tpu.memref_slice %arg4[%dma_start3A_240, %dma_start3A_241] : memref<472x256xf32, #tpu.memory_space<vmem>> -> memref<384x256xf32, #tpu.memory_space<vmem>>
    tpu.enqueue_dma source(%dma_start3A_242 : memref<384x256xf32, #tpu.memory_space<vmem>>) target(%dma_start3A_239 : memref<384x256xf32, #tpu.memory_space<hbm>>) target_semaphore(%arg5 : memref<!tpu.dma_semaphore, #tpu.memory_space<semaphore_mem>>)
    %mul3A_243 = arith.constant 96 : i32
    %mul3A_244 = arith.muli %mul3A_243, %select_n3A_30 : i32
    %add3A_245 = arith.addi %select_n3A_9, %mul3A_244 : i32
    %add3A_246 = arith.constant 88 : i32
    %add3A_247 = arith.addi %add3A_245, %add3A_246 : i32
    %dma_start3A_248 = arith.constant 0 : i32
    %dma_start3A_249 = arith.constant 0 : i32
    %dma_start3A_250 = tpu.memref_slice %arg4[%dma_start3A_248, %dma_start3A_249] : memref<472x256xf32, #tpu.memory_space<vmem>> -> memref<384x256xf32, #tpu.memory_space<vmem>>
    %dma_start3A_251 = arith.constant 0 : i32
    %dma_start3A_252 = arith.constant 0 : i32
    %dma_start3A_253 = tpu.memref_slice %arg3[%add3A_247, %dma_start3A_251, %dma_start3A_252] : memref<384x384x256xf32, #tpu.memory_space<hbm>> -> memref<1x384x256xf32, #tpu.memory_space<hbm>>
    %dma_start3A_254 = tpu.memref_squeeze %dma_start3A_253 : memref<1x384x256xf32, #tpu.memory_space<hbm>> -> memref<384x256xf32, #tpu.memory_space<hbm>>
    %dma_start3A_255 = arith.constant 0 : i32
    %dma_start3A_256 = arith.constant 0 : i32
    %dma_start3A_257 = tpu.memref_slice %arg3[%add3A_247, %dma_start3A_255, %dma_start3A_256] : memref<384x384x256xf32, #tpu.memory_space<hbm>> -> memref<1x384x256xf32, #tpu.memory_space<hbm>>
    %dma_start3A_258 = tpu.memref_squeeze %dma_start3A_257 : memref<1x384x256xf32, #tpu.memory_space<hbm>> -> memref<384x256xf32, #tpu.memory_space<hbm>>
    %dma_start3A_259 = arith.constant 0 : i32
    %dma_start3A_260 = arith.constant 0 : i32
    %dma_start3A_261 = tpu.memref_slice %arg4[%dma_start3A_259, %dma_start3A_260] : memref<472x256xf32, #tpu.memory_space<vmem>> -> memref<384x256xf32, #tpu.memory_space<vmem>>
    tpu.enqueue_dma source(%dma_start3A_261 : memref<384x256xf32, #tpu.memory_space<vmem>>) target(%dma_start3A_258 : memref<384x256xf32, #tpu.memory_space<hbm>>) target_semaphore(%arg5 : memref<!tpu.dma_semaphore, #tpu.memory_space<semaphore_mem>>)
    %dma_wait3A = arith.constant 88 : i32
    %dma_wait3A_262 = arith.constant 0 : i32
    %dma_wait3A_263 = tpu.memref_slice %arg4[%dma_wait3A, %dma_wait3A_262] : memref<472x256xf32, #tpu.memory_space<vmem>> -> memref<384x256xf32, #tpu.memory_space<vmem>>
    %dma_wait3A_264 = arith.constant 0 : i32
    %dma_wait3A_265 = arith.constant 0 : i32
    %dma_wait3A_266 = tpu.memref_slice %arg3[%add3A_39, %dma_wait3A_264, %dma_wait3A_265] : memref<384x384x256xf32, #tpu.memory_space<hbm>> -> memref<1x384x256xf32, #tpu.memory_space<hbm>>
    %dma_wait3A_267 = tpu.memref_squeeze %dma_wait3A_266 : memref<1x384x256xf32, #tpu.memory_space<hbm>> -> memref<384x256xf32, #tpu.memory_space<hbm>>
    %dma_wait3A_268 = arith.constant 0 : i32
    %dma_wait3A_269 = arith.constant 0 : i32
    %dma_wait3A_270 = tpu.memref_slice %arg3[%add3A_39, %dma_wait3A_268, %dma_wait3A_269] : memref<384x384x256xf32, #tpu.memory_space<hbm>> -> memref<1x384x256xf32, #tpu.memory_space<hbm>>
    %dma_wait3A_271 = tpu.memref_squeeze %dma_wait3A_270 : memref<1x384x256xf32, #tpu.memory_space<hbm>> -> memref<384x256xf32, #tpu.memory_space<hbm>>
    %dma_wait3A_272 = arith.constant 88 : i32
    %dma_wait3A_273 = arith.constant 0 : i32
    %dma_wait3A_274 = tpu.memref_slice %arg4[%dma_wait3A_272, %dma_wait3A_273] : memref<472x256xf32, #tpu.memory_space<vmem>> -> memref<384x256xf32, #tpu.memory_space<vmem>>
    tpu.wait_dma2 semaphore(%arg5 : memref<!tpu.dma_semaphore, #tpu.memory_space<semaphore_mem>>) src(%dma_wait3A_274 : memref<384x256xf32, #tpu.memory_space<vmem>>) dst(%dma_wait3A_271 : memref<384x256xf32, #tpu.memory_space<hbm>>)
    %dma_wait3A_275 = arith.constant 80 : i32
    %dma_wait3A_276 = arith.constant 0 : i32
    %dma_wait3A_277 = tpu.memref_slice %arg4[%dma_wait3A_275, %dma_wait3A_276] : memref<472x256xf32, #tpu.memory_space<vmem>> -> memref<384x256xf32, #tpu.memory_space<vmem>>
    %dma_wait3A_278 = arith.constant 0 : i32
    %dma_wait3A_279 = arith.constant 0 : i32
    %dma_wait3A_280 = tpu.memref_slice %arg3[%add3A_57, %dma_wait3A_278, %dma_wait3A_279] : memref<384x384x256xf32, #tpu.memory_space<hbm>> -> memref<1x384x256xf32, #tpu.memory_space<hbm>>
    %dma_wait3A_281 = tpu.memref_squeeze %dma_wait3A_280 : memref<1x384x256xf32, #tpu.memory_space<hbm>> -> memref<384x256xf32, #tpu.memory_space<hbm>>
    %dma_wait3A_282 = arith.constant 0 : i32
    %dma_wait3A_283 = arith.constant 0 : i32
    %dma_wait3A_284 = tpu.memref_slice %arg3[%add3A_57, %dma_wait3A_282, %dma_wait3A_283] : memref<384x384x256xf32, #tpu.memory_space<hbm>> -> memref<1x384x256xf32, #tpu.memory_space<hbm>>
    %dma_wait3A_285 = tpu.memref_squeeze %dma_wait3A_284 : memref<1x384x256xf32, #tpu.memory_space<hbm>> -> memref<384x256xf32, #tpu.memory_space<hbm>>
    %dma_wait3A_286 = arith.constant 80 : i32
    %dma_wait3A_287 = arith.constant 0 : i32
    %dma_wait3A_288 = tpu.memref_slice %arg4[%dma_wait3A_286, %dma_wait3A_287] : memref<472x256xf32, #tpu.memory_space<vmem>> -> memref<384x256xf32, #tpu.memory_space<vmem>>
    tpu.wait_dma2 semaphore(%arg5 : memref<!tpu.dma_semaphore, #tpu.memory_space<semaphore_mem>>) src(%dma_wait3A_288 : memref<384x256xf32, #tpu.memory_space<vmem>>) dst(%dma_wait3A_285 : memref<384x256xf32, #tpu.memory_space<hbm>>)
    %dma_wait3A_289 = arith.constant 72 : i32
    %dma_wait3A_290 = arith.constant 0 : i32
    %dma_wait3A_291 = tpu.memref_slice %arg4[%dma_wait3A_289, %dma_wait3A_290] : memref<472x256xf32, #tpu.memory_space<vmem>> -> memref<384x256xf32, #tpu.memory_space<vmem>>
    %dma_wait3A_292 = arith.constant 0 : i32
    %dma_wait3A_293 = arith.constant 0 : i32
    %dma_wait3A_294 = tpu.memref_slice %arg3[%add3A_76, %dma_wait3A_292, %dma_wait3A_293] : memref<384x384x256xf32, #tpu.memory_space<hbm>> -> memref<1x384x256xf32, #tpu.memory_space<hbm>>
    %dma_wait3A_295 = tpu.memref_squeeze %dma_wait3A_294 : memref<1x384x256xf32, #tpu.memory_space<hbm>> -> memref<384x256xf32, #tpu.memory_space<hbm>>
    %dma_wait3A_296 = arith.constant 0 : i32
    %dma_wait3A_297 = arith.constant 0 : i32
    %dma_wait3A_298 = tpu.memref_slice %arg3[%add3A_76, %dma_wait3A_296, %dma_wait3A_297] : memref<384x384x256xf32, #tpu.memory_space<hbm>> -> memref<1x384x256xf32, #tpu.memory_space<hbm>>
    %dma_wait3A_299 = tpu.memref_squeeze %dma_wait3A_298 : memref<1x384x256xf32, #tpu.memory_space<hbm>> -> memref<384x256xf32, #tpu.memory_space<hbm>>
    %dma_wait3A_300 = arith.constant 72 : i32
    %dma_wait3A_301 = arith.constant 0 : i32
    %dma_wait3A_302 = tpu.memref_slice %arg4[%dma_wait3A_300, %dma_wait3A_301] : memref<472x256xf32, #tpu.memory_space<vmem>> -> memref<384x256xf32, #tpu.memory_space<vmem>>
    tpu.wait_dma2 semaphore(%arg5 : memref<!tpu.dma_semaphore, #tpu.memory_space<semaphore_mem>>) src(%dma_wait3A_302 : memref<384x256xf32, #tpu.memory_space<vmem>>) dst(%dma_wait3A_299 : memref<384x256xf32, #tpu.memory_space<hbm>>)
    %dma_wait3A_303 = arith.constant 64 : i32
    %dma_wait3A_304 = arith.constant 0 : i32
    %dma_wait3A_305 = tpu.memref_slice %arg4[%dma_wait3A_303, %dma_wait3A_304] : memref<472x256xf32, #tpu.memory_space<vmem>> -> memref<384x256xf32, #tpu.memory_space<vmem>>
    %dma_wait3A_306 = arith.constant 0 : i32
    %dma_wait3A_307 = arith.constant 0 : i32
    %dma_wait3A_308 = tpu.memref_slice %arg3[%add3A_95, %dma_wait3A_306, %dma_wait3A_307] : memref<384x384x256xf32, #tpu.memory_space<hbm>> -> memref<1x384x256xf32, #tpu.memory_space<hbm>>
    %dma_wait3A_309 = tpu.memref_squeeze %dma_wait3A_308 : memref<1x384x256xf32, #tpu.memory_space<hbm>> -> memref<384x256xf32, #tpu.memory_space<hbm>>
    %dma_wait3A_310 = arith.constant 0 : i32
    %dma_wait3A_311 = arith.constant 0 : i32
    %dma_wait3A_312 = tpu.memref_slice %arg3[%add3A_95, %dma_wait3A_310, %dma_wait3A_311] : memref<384x384x256xf32, #tpu.memory_space<hbm>> -> memref<1x384x256xf32, #tpu.memory_space<hbm>>
    %dma_wait3A_313 = tpu.memref_squeeze %dma_wait3A_312 : memref<1x384x256xf32, #tpu.memory_space<hbm>> -> memref<384x256xf32, #tpu.memory_space<hbm>>
    %dma_wait3A_314 = arith.constant 64 : i32
    %dma_wait3A_315 = arith.constant 0 : i32
    %dma_wait3A_316 = tpu.memref_slice %arg4[%dma_wait3A_314, %dma_wait3A_315] : memref<472x256xf32, #tpu.memory_space<vmem>> -> memref<384x256xf32, #tpu.memory_space<vmem>>
    tpu.wait_dma2 semaphore(%arg5 : memref<!tpu.dma_semaphore, #tpu.memory_space<semaphore_mem>>) src(%dma_wait3A_316 : memref<384x256xf32, #tpu.memory_space<vmem>>) dst(%dma_wait3A_313 : memref<384x256xf32, #tpu.memory_space<hbm>>)
    %dma_wait3A_317 = arith.constant 56 : i32
    %dma_wait3A_318 = arith.constant 0 : i32
    %dma_wait3A_319 = tpu.memref_slice %arg4[%dma_wait3A_317, %dma_wait3A_318] : memref<472x256xf32, #tpu.memory_space<vmem>> -> memref<384x256xf32, #tpu.memory_space<vmem>>
    %dma_wait3A_320 = arith.constant 0 : i32
    %dma_wait3A_321 = arith.constant 0 : i32
    %dma_wait3A_322 = tpu.memref_slice %arg3[%add3A_114, %dma_wait3A_320, %dma_wait3A_321] : memref<384x384x256xf32, #tpu.memory_space<hbm>> -> memref<1x384x256xf32, #tpu.memory_space<hbm>>
    %dma_wait3A_323 = tpu.memref_squeeze %dma_wait3A_322 : memref<1x384x256xf32, #tpu.memory_space<hbm>> -> memref<384x256xf32, #tpu.memory_space<hbm>>
    %dma_wait3A_324 = arith.constant 0 : i32
    %dma_wait3A_325 = arith.constant 0 : i32
    %dma_wait3A_326 = tpu.memref_slice %arg3[%add3A_114, %dma_wait3A_324, %dma_wait3A_325] : memref<384x384x256xf32, #tpu.memory_space<hbm>> -> memref<1x384x256xf32, #tpu.memory_space<hbm>>
    %dma_wait3A_327 = tpu.memref_squeeze %dma_wait3A_326 : memref<1x384x256xf32, #tpu.memory_space<hbm>> -> memref<384x256xf32, #tpu.memory_space<hbm>>
    %dma_wait3A_328 = arith.constant 56 : i32
    %dma_wait3A_329 = arith.constant 0 : i32
    %dma_wait3A_330 = tpu.memref_slice %arg4[%dma_wait3A_328, %dma_wait3A_329] : memref<472x256xf32, #tpu.memory_space<vmem>> -> memref<384x256xf32, #tpu.memory_space<vmem>>
    tpu.wait_dma2 semaphore(%arg5 : memref<!tpu.dma_semaphore, #tpu.memory_space<semaphore_mem>>) src(%dma_wait3A_330 : memref<384x256xf32, #tpu.memory_space<vmem>>) dst(%dma_wait3A_327 : memref<384x256xf32, #tpu.memory_space<hbm>>)
    %dma_wait3A_331 = arith.constant 48 : i32
    %dma_wait3A_332 = arith.constant 0 : i32
    %dma_wait3A_333 = tpu.memref_slice %arg4[%dma_wait3A_331, %dma_wait3A_332] : memref<472x256xf32, #tpu.memory_space<vmem>> -> memref<384x256xf32, #tpu.memory_space<vmem>>
    %dma_wait3A_334 = arith.constant 0 : i32
    %dma_wait3A_335 = arith.constant 0 : i32
    %dma_wait3A_336 = tpu.memref_slice %arg3[%add3A_133, %dma_wait3A_334, %dma_wait3A_335] : memref<384x384x256xf32, #tpu.memory_space<hbm>> -> memref<1x384x256xf32, #tpu.memory_space<hbm>>
    %dma_wait3A_337 = tpu.memref_squeeze %dma_wait3A_336 : memref<1x384x256xf32, #tpu.memory_space<hbm>> -> memref<384x256xf32, #tpu.memory_space<hbm>>
    %dma_wait3A_338 = arith.constant 0 : i32
    %dma_wait3A_339 = arith.constant 0 : i32
    %dma_wait3A_340 = tpu.memref_slice %arg3[%add3A_133, %dma_wait3A_338, %dma_wait3A_339] : memref<384x384x256xf32, #tpu.memory_space<hbm>> -> memref<1x384x256xf32, #tpu.memory_space<hbm>>
    %dma_wait3A_341 = tpu.memref_squeeze %dma_wait3A_340 : memref<1x384x256xf32, #tpu.memory_space<hbm>> -> memref<384x256xf32, #tpu.memory_space<hbm>>
    %dma_wait3A_342 = arith.constant 48 : i32
    %dma_wait3A_343 = arith.constant 0 : i32
    %dma_wait3A_344 = tpu.memref_slice %arg4[%dma_wait3A_342, %dma_wait3A_343] : memref<472x256xf32, #tpu.memory_space<vmem>> -> memref<384x256xf32, #tpu.memory_space<vmem>>
    tpu.wait_dma2 semaphore(%arg5 : memref<!tpu.dma_semaphore, #tpu.memory_space<semaphore_mem>>) src(%dma_wait3A_344 : memref<384x256xf32, #tpu.memory_space<vmem>>) dst(%dma_wait3A_341 : memref<384x256xf32, #tpu.memory_space<hbm>>)
    %dma_wait3A_345 = arith.constant 40 : i32
    %dma_wait3A_346 = arith.constant 0 : i32
    %dma_wait3A_347 = tpu.memref_slice %arg4[%dma_wait3A_345, %dma_wait3A_346] : memref<472x256xf32, #tpu.memory_space<vmem>> -> memref<384x256xf32, #tpu.memory_space<vmem>>
    %dma_wait3A_348 = arith.constant 0 : i32
    %dma_wait3A_349 = arith.constant 0 : i32
    %dma_wait3A_350 = tpu.memref_slice %arg3[%add3A_152, %dma_wait3A_348, %dma_wait3A_349] : memref<384x384x256xf32, #tpu.memory_space<hbm>> -> memref<1x384x256xf32, #tpu.memory_space<hbm>>
    %dma_wait3A_351 = tpu.memref_squeeze %dma_wait3A_350 : memref<1x384x256xf32, #tpu.memory_space<hbm>> -> memref<384x256xf32, #tpu.memory_space<hbm>>
    %dma_wait3A_352 = arith.constant 0 : i32
    %dma_wait3A_353 = arith.constant 0 : i32
    %dma_wait3A_354 = tpu.memref_slice %arg3[%add3A_152, %dma_wait3A_352, %dma_wait3A_353] : memref<384x384x256xf32, #tpu.memory_space<hbm>> -> memref<1x384x256xf32, #tpu.memory_space<hbm>>
    %dma_wait3A_355 = tpu.memref_squeeze %dma_wait3A_354 : memref<1x384x256xf32, #tpu.memory_space<hbm>> -> memref<384x256xf32, #tpu.memory_space<hbm>>
    %dma_wait3A_356 = arith.constant 40 : i32
    %dma_wait3A_357 = arith.constant 0 : i32
    %dma_wait3A_358 = tpu.memref_slice %arg4[%dma_wait3A_356, %dma_wait3A_357] : memref<472x256xf32, #tpu.memory_space<vmem>> -> memref<384x256xf32, #tpu.memory_space<vmem>>
    tpu.wait_dma2 semaphore(%arg5 : memref<!tpu.dma_semaphore, #tpu.memory_space<semaphore_mem>>) src(%dma_wait3A_358 : memref<384x256xf32, #tpu.memory_space<vmem>>) dst(%dma_wait3A_355 : memref<384x256xf32, #tpu.memory_space<hbm>>)
    %dma_wait3A_359 = arith.constant 32 : i32
    %dma_wait3A_360 = arith.constant 0 : i32
    %dma_wait3A_361 = tpu.memref_slice %arg4[%dma_wait3A_359, %dma_wait3A_360] : memref<472x256xf32, #tpu.memory_space<vmem>> -> memref<384x256xf32, #tpu.memory_space<vmem>>
    %dma_wait3A_362 = arith.constant 0 : i32
    %dma_wait3A_363 = arith.constant 0 : i32
    %dma_wait3A_364 = tpu.memref_slice %arg3[%add3A_171, %dma_wait3A_362, %dma_wait3A_363] : memref<384x384x256xf32, #tpu.memory_space<hbm>> -> memref<1x384x256xf32, #tpu.memory_space<hbm>>
    %dma_wait3A_365 = tpu.memref_squeeze %dma_wait3A_364 : memref<1x384x256xf32, #tpu.memory_space<hbm>> -> memref<384x256xf32, #tpu.memory_space<hbm>>
    %dma_wait3A_366 = arith.constant 0 : i32
    %dma_wait3A_367 = arith.constant 0 : i32
    %dma_wait3A_368 = tpu.memref_slice %arg3[%add3A_171, %dma_wait3A_366, %dma_wait3A_367] : memref<384x384x256xf32, #tpu.memory_space<hbm>> -> memref<1x384x256xf32, #tpu.memory_space<hbm>>
    %dma_wait3A_369 = tpu.memref_squeeze %dma_wait3A_368 : memref<1x384x256xf32, #tpu.memory_space<hbm>> -> memref<384x256xf32, #tpu.memory_space<hbm>>
    %dma_wait3A_370 = arith.constant 32 : i32
    %dma_wait3A_371 = arith.constant 0 : i32
    %dma_wait3A_372 = tpu.memref_slice %arg4[%dma_wait3A_370, %dma_wait3A_371] : memref<472x256xf32, #tpu.memory_space<vmem>> -> memref<384x256xf32, #tpu.memory_space<vmem>>
    tpu.wait_dma2 semaphore(%arg5 : memref<!tpu.dma_semaphore, #tpu.memory_space<semaphore_mem>>) src(%dma_wait3A_372 : memref<384x256xf32, #tpu.memory_space<vmem>>) dst(%dma_wait3A_369 : memref<384x256xf32, #tpu.memory_space<hbm>>)
    %dma_wait3A_373 = arith.constant 24 : i32
    %dma_wait3A_374 = arith.constant 0 : i32
    %dma_wait3A_375 = tpu.memref_slice %arg4[%dma_wait3A_373, %dma_wait3A_374] : memref<472x256xf32, #tpu.memory_space<vmem>> -> memref<384x256xf32, #tpu.memory_space<vmem>>
    %dma_wait3A_376 = arith.constant 0 : i32
    %dma_wait3A_377 = arith.constant 0 : i32
    %dma_wait3A_378 = tpu.memref_slice %arg3[%add3A_190, %dma_wait3A_376, %dma_wait3A_377] : memref<384x384x256xf32, #tpu.memory_space<hbm>> -> memref<1x384x256xf32, #tpu.memory_space<hbm>>
    %dma_wait3A_379 = tpu.memref_squeeze %dma_wait3A_378 : memref<1x384x256xf32, #tpu.memory_space<hbm>> -> memref<384x256xf32, #tpu.memory_space<hbm>>
    %dma_wait3A_380 = arith.constant 0 : i32
    %dma_wait3A_381 = arith.constant 0 : i32
    %dma_wait3A_382 = tpu.memref_slice %arg3[%add3A_190, %dma_wait3A_380, %dma_wait3A_381] : memref<384x384x256xf32, #tpu.memory_space<hbm>> -> memref<1x384x256xf32, #tpu.memory_space<hbm>>
    %dma_wait3A_383 = tpu.memref_squeeze %dma_wait3A_382 : memref<1x384x256xf32, #tpu.memory_space<hbm>> -> memref<384x256xf32, #tpu.memory_space<hbm>>
    %dma_wait3A_384 = arith.constant 24 : i32
    %dma_wait3A_385 = arith.constant 0 : i32
    %dma_wait3A_386 = tpu.memref_slice %arg4[%dma_wait3A_384, %dma_wait3A_385] : memref<472x256xf32, #tpu.memory_space<vmem>> -> memref<384x256xf32, #tpu.memory_space<vmem>>
    tpu.wait_dma2 semaphore(%arg5 : memref<!tpu.dma_semaphore, #tpu.memory_space<semaphore_mem>>) src(%dma_wait3A_386 : memref<384x256xf32, #tpu.memory_space<vmem>>) dst(%dma_wait3A_383 : memref<384x256xf32, #tpu.memory_space<hbm>>)
    %dma_wait3A_387 = arith.constant 16 : i32
    %dma_wait3A_388 = arith.constant 0 : i32
    %dma_wait3A_389 = tpu.memref_slice %arg4[%dma_wait3A_387, %dma_wait3A_388] : memref<472x256xf32, #tpu.memory_space<vmem>> -> memref<384x256xf32, #tpu.memory_space<vmem>>
    %dma_wait3A_390 = arith.constant 0 : i32
    %dma_wait3A_391 = arith.constant 0 : i32
    %dma_wait3A_392 = tpu.memref_slice %arg3[%add3A_209, %dma_wait3A_390, %dma_wait3A_391] : memref<384x384x256xf32, #tpu.memory_space<hbm>> -> memref<1x384x256xf32, #tpu.memory_space<hbm>>
    %dma_wait3A_393 = tpu.memref_squeeze %dma_wait3A_392 : memref<1x384x256xf32, #tpu.memory_space<hbm>> -> memref<384x256xf32, #tpu.memory_space<hbm>>
    %dma_wait3A_394 = arith.constant 0 : i32
    %dma_wait3A_395 = arith.constant 0 : i32
    %dma_wait3A_396 = tpu.memref_slice %arg3[%add3A_209, %dma_wait3A_394, %dma_wait3A_395] : memref<384x384x256xf32, #tpu.memory_space<hbm>> -> memref<1x384x256xf32, #tpu.memory_space<hbm>>
    %dma_wait3A_397 = tpu.memref_squeeze %dma_wait3A_396 : memref<1x384x256xf32, #tpu.memory_space<hbm>> -> memref<384x256xf32, #tpu.memory_space<hbm>>
    %dma_wait3A_398 = arith.constant 16 : i32
    %dma_wait3A_399 = arith.constant 0 : i32
    %dma_wait3A_400 = tpu.memref_slice %arg4[%dma_wait3A_398, %dma_wait3A_399] : memref<472x256xf32, #tpu.memory_space<vmem>> -> memref<384x256xf32, #tpu.memory_space<vmem>>
    tpu.wait_dma2 semaphore(%arg5 : memref<!tpu.dma_semaphore, #tpu.memory_space<semaphore_mem>>) src(%dma_wait3A_400 : memref<384x256xf32, #tpu.memory_space<vmem>>) dst(%dma_wait3A_397 : memref<384x256xf32, #tpu.memory_space<hbm>>)
    %dma_wait3A_401 = arith.constant 8 : i32
    %dma_wait3A_402 = arith.constant 0 : i32
    %dma_wait3A_403 = tpu.memref_slice %arg4[%dma_wait3A_401, %dma_wait3A_402] : memref<472x256xf32, #tpu.memory_space<vmem>> -> memref<384x256xf32, #tpu.memory_space<vmem>>
    %dma_wait3A_404 = arith.constant 0 : i32
    %dma_wait3A_405 = arith.constant 0 : i32
    %dma_wait3A_406 = tpu.memref_slice %arg3[%add3A_228, %dma_wait3A_404, %dma_wait3A_405] : memref<384x384x256xf32, #tpu.memory_space<hbm>> -> memref<1x384x256xf32, #tpu.memory_space<hbm>>
    %dma_wait3A_407 = tpu.memref_squeeze %dma_wait3A_406 : memref<1x384x256xf32, #tpu.memory_space<hbm>> -> memref<384x256xf32, #tpu.memory_space<hbm>>
    %dma_wait3A_408 = arith.constant 0 : i32
    %dma_wait3A_409 = arith.constant 0 : i32
    %dma_wait3A_410 = tpu.memref_slice %arg3[%add3A_228, %dma_wait3A_408, %dma_wait3A_409] : memref<384x384x256xf32, #tpu.memory_space<hbm>> -> memref<1x384x256xf32, #tpu.memory_space<hbm>>
    %dma_wait3A_411 = tpu.memref_squeeze %dma_wait3A_410 : memref<1x384x256xf32, #tpu.memory_space<hbm>> -> memref<384x256xf32, #tpu.memory_space<hbm>>
    %dma_wait3A_412 = arith.constant 8 : i32
    %dma_wait3A_413 = arith.constant 0 : i32
    %dma_wait3A_414 = tpu.memref_slice %arg4[%dma_wait3A_412, %dma_wait3A_413] : memref<472x256xf32, #tpu.memory_space<vmem>> -> memref<384x256xf32, #tpu.memory_space<vmem>>
    tpu.wait_dma2 semaphore(%arg5 : memref<!tpu.dma_semaphore, #tpu.memory_space<semaphore_mem>>) src(%dma_wait3A_414 : memref<384x256xf32, #tpu.memory_space<vmem>>) dst(%dma_wait3A_411 : memref<384x256xf32, #tpu.memory_space<hbm>>)
    %dma_wait3A_415 = arith.constant 0 : i32
    %dma_wait3A_416 = arith.constant 0 : i32
    %dma_wait3A_417 = tpu.memref_slice %arg4[%dma_wait3A_415, %dma_wait3A_416] : memref<472x256xf32, #tpu.memory_space<vmem>> -> memref<384x256xf32, #tpu.memory_space<vmem>>
    %dma_wait3A_418 = arith.constant 0 : i32
    %dma_wait3A_419 = arith.constant 0 : i32
    %dma_wait3A_420 = tpu.memref_slice %arg3[%add3A_247, %dma_wait3A_418, %dma_wait3A_419] : memref<384x384x256xf32, #tpu.memory_space<hbm>> -> memref<1x384x256xf32, #tpu.memory_space<hbm>>
    %dma_wait3A_421 = tpu.memref_squeeze %dma_wait3A_420 : memref<1x384x256xf32, #tpu.memory_space<hbm>> -> memref<384x256xf32, #tpu.memory_space<hbm>>
    %dma_wait3A_422 = arith.constant 0 : i32
    %dma_wait3A_423 = arith.constant 0 : i32
    %dma_wait3A_424 = tpu.memref_slice %arg3[%add3A_247, %dma_wait3A_422, %dma_wait3A_423] : memref<384x384x256xf32, #tpu.memory_space<hbm>> -> memref<1x384x256xf32, #tpu.memory_space<hbm>>
    %dma_wait3A_425 = tpu.memref_squeeze %dma_wait3A_424 : memref<1x384x256xf32, #tpu.memory_space<hbm>> -> memref<384x256xf32, #tpu.memory_space<hbm>>
    %dma_wait3A_426 = arith.constant 0 : i32
    %dma_wait3A_427 = arith.constant 0 : i32
    %dma_wait3A_428 = tpu.memref_slice %arg4[%dma_wait3A_426, %dma_wait3A_427] : memref<472x256xf32, #tpu.memory_space<vmem>> -> memref<384x256xf32, #tpu.memory_space<vmem>>
    tpu.wait_dma2 semaphore(%arg5 : memref<!tpu.dma_semaphore, #tpu.memory_space<semaphore_mem>>) src(%dma_wait3A_428 : memref<384x256xf32, #tpu.memory_space<vmem>>) dst(%dma_wait3A_425 : memref<384x256xf32, #tpu.memory_space<hbm>>)
    return
  }
}

module attributes {stable_mosaic.version = 14 : i64} {
  func.func @_phase_body(%arg0: memref<1001x256xf32, #tpu.memory_space<vmem>>, %arg1: memref<8x760x256xf32, #tpu.memory_space<vmem>>) attributes {dimension_semantics = [], scalar_prefetch = 0 : i64, scratch_operands = 0 : i64, tpu.core_type = #tpu.core_type<tc>} {
    %get3A = arith.constant 124 : index
    %get3A_0 = arith.constant 0 : index
    %get3A_1 = vector.load %arg0[%get3A, %get3A_0] : memref<1001x256xf32, #tpu.memory_space<vmem>>, vector<760x256xf32>
    %swap3A = arith.constant 0 : index
    %swap3A_2 = arith.constant 0 : index
    %swap3A_3 = arith.constant 0 : index
    %swap3A_4 = vector.load %arg1[%swap3A, %swap3A_2, %swap3A_3] : memref<8x760x256xf32, #tpu.memory_space<vmem>>, vector<1x760x256xf32>
    %swap3A_5 = vector.shape_cast %swap3A_4 : vector<1x760x256xf32> to vector<760x256xf32>
    %swap3A_6 = vector.shape_cast %get3A_1 : vector<760x256xf32> to vector<1x760x256xf32>
    tpu.vector_store %arg1[%swap3A, %swap3A_2, %swap3A_3], %swap3A_6 {strides = array<i32>} : memref<8x760x256xf32, #tpu.memory_space<vmem>>, vector<1x760x256xf32>,
    %get3A_7 = arith.constant 123 : index
    %get3A_8 = arith.constant 0 : index
    %get3A_9 = vector.load %arg0[%get3A_7, %get3A_8] : memref<1001x256xf32, #tpu.memory_space<vmem>>, vector<760x256xf32>
    %swap3A_10 = arith.constant 1 : index
    %swap3A_11 = arith.constant 0 : index
    %swap3A_12 = arith.constant 0 : index
    %swap3A_13 = vector.load %arg1[%swap3A_10, %swap3A_11, %swap3A_12] : memref<8x760x256xf32, #tpu.memory_space<vmem>>, vector<1x760x256xf32>
    %swap3A_14 = vector.shape_cast %swap3A_13 : vector<1x760x256xf32> to vector<760x256xf32>
    %swap3A_15 = vector.shape_cast %get3A_9 : vector<760x256xf32> to vector<1x760x256xf32>
    tpu.vector_store %arg1[%swap3A_10, %swap3A_11, %swap3A_12], %swap3A_15 {strides = array<i32>} : memref<8x760x256xf32, #tpu.memory_space<vmem>>, vector<1x760x256xf32>,
    %get3A_16 = arith.constant 122 : index
    %get3A_17 = arith.constant 0 : index
    %get3A_18 = vector.load %arg0[%get3A_16, %get3A_17] : memref<1001x256xf32, #tpu.memory_space<vmem>>, vector<760x256xf32>
    %swap3A_19 = arith.constant 2 : index
    %swap3A_20 = arith.constant 0 : index
    %swap3A_21 = arith.constant 0 : index
    %swap3A_22 = vector.load %arg1[%swap3A_19, %swap3A_20, %swap3A_21] : memref<8x760x256xf32, #tpu.memory_space<vmem>>, vector<1x760x256xf32>
    %swap3A_23 = vector.shape_cast %swap3A_22 : vector<1x760x256xf32> to vector<760x256xf32>
    %swap3A_24 = vector.shape_cast %get3A_18 : vector<760x256xf32> to vector<1x760x256xf32>
    tpu.vector_store %arg1[%swap3A_19, %swap3A_20, %swap3A_21], %swap3A_24 {strides = array<i32>} : memref<8x760x256xf32, #tpu.memory_space<vmem>>, vector<1x760x256xf32>,
    %get3A_25 = arith.constant 121 : index
    %get3A_26 = arith.constant 0 : index
    %get3A_27 = vector.load %arg0[%get3A_25, %get3A_26] : memref<1001x256xf32, #tpu.memory_space<vmem>>, vector<760x256xf32>
    %swap3A_28 = arith.constant 3 : index
    %swap3A_29 = arith.constant 0 : index
    %swap3A_30 = arith.constant 0 : index
    %swap3A_31 = vector.load %arg1[%swap3A_28, %swap3A_29, %swap3A_30] : memref<8x760x256xf32, #tpu.memory_space<vmem>>, vector<1x760x256xf32>
    %swap3A_32 = vector.shape_cast %swap3A_31 : vector<1x760x256xf32> to vector<760x256xf32>
    %swap3A_33 = vector.shape_cast %get3A_27 : vector<760x256xf32> to vector<1x760x256xf32>
    tpu.vector_store %arg1[%swap3A_28, %swap3A_29, %swap3A_30], %swap3A_33 {strides = array<i32>} : memref<8x760x256xf32, #tpu.memory_space<vmem>>, vector<1x760x256xf32>,
    %get3A_34 = arith.constant 120 : index
    %get3A_35 = arith.constant 0 : index
    %get3A_36 = vector.load %arg0[%get3A_34, %get3A_35] : memref<1001x256xf32, #tpu.memory_space<vmem>>, vector<760x256xf32>
    %swap3A_37 = arith.constant 4 : index
    %swap3A_38 = arith.constant 0 : index
    %swap3A_39 = arith.constant 0 : index
    %swap3A_40 = vector.load %arg1[%swap3A_37, %swap3A_38, %swap3A_39] : memref<8x760x256xf32, #tpu.memory_space<vmem>>, vector<1x760x256xf32>
    %swap3A_41 = vector.shape_cast %swap3A_40 : vector<1x760x256xf32> to vector<760x256xf32>
    %swap3A_42 = vector.shape_cast %get3A_36 : vector<760x256xf32> to vector<1x760x256xf32>
    tpu.vector_store %arg1[%swap3A_37, %swap3A_38, %swap3A_39], %swap3A_42 {strides = array<i32>} : memref<8x760x256xf32, #tpu.memory_space<vmem>>, vector<1x760x256xf32>,
    %get3A_43 = arith.constant 119 : index
    %get3A_44 = arith.constant 0 : index
    %get3A_45 = vector.load %arg0[%get3A_43, %get3A_44] : memref<1001x256xf32, #tpu.memory_space<vmem>>, vector<760x256xf32>
    %swap3A_46 = arith.constant 5 : index
    %swap3A_47 = arith.constant 0 : index
    %swap3A_48 = arith.constant 0 : index
    %swap3A_49 = vector.load %arg1[%swap3A_46, %swap3A_47, %swap3A_48] : memref<8x760x256xf32, #tpu.memory_space<vmem>>, vector<1x760x256xf32>
    %swap3A_50 = vector.shape_cast %swap3A_49 : vector<1x760x256xf32> to vector<760x256xf32>
    %swap3A_51 = vector.shape_cast %get3A_45 : vector<760x256xf32> to vector<1x760x256xf32>
    tpu.vector_store %arg1[%swap3A_46, %swap3A_47, %swap3A_48], %swap3A_51 {strides = array<i32>} : memref<8x760x256xf32, #tpu.memory_space<vmem>>, vector<1x760x256xf32>,
    %get3A_52 = arith.constant 118 : index
    %get3A_53 = arith.constant 0 : index
    %get3A_54 = vector.load %arg0[%get3A_52, %get3A_53] : memref<1001x256xf32, #tpu.memory_space<vmem>>, vector<760x256xf32>
    %swap3A_55 = arith.constant 6 : index
    %swap3A_56 = arith.constant 0 : index
    %swap3A_57 = arith.constant 0 : index
    %swap3A_58 = vector.load %arg1[%swap3A_55, %swap3A_56, %swap3A_57] : memref<8x760x256xf32, #tpu.memory_space<vmem>>, vector<1x760x256xf32>
    %swap3A_59 = vector.shape_cast %swap3A_58 : vector<1x760x256xf32> to vector<760x256xf32>
    %swap3A_60 = vector.shape_cast %get3A_54 : vector<760x256xf32> to vector<1x760x256xf32>
    tpu.vector_store %arg1[%swap3A_55, %swap3A_56, %swap3A_57], %swap3A_60 {strides = array<i32>} : memref<8x760x256xf32, #tpu.memory_space<vmem>>, vector<1x760x256xf32>,
    %get3A_61 = arith.constant 117 : index
    %get3A_62 = arith.constant 0 : index
    %get3A_63 = vector.load %arg0[%get3A_61, %get3A_62] : memref<1001x256xf32, #tpu.memory_space<vmem>>, vector<760x256xf32>
    %swap3A_64 = arith.constant 7 : index
    %swap3A_65 = arith.constant 0 : index
    %swap3A_66 = arith.constant 0 : index
    %swap3A_67 = vector.load %arg1[%swap3A_64, %swap3A_65, %swap3A_66] : memref<8x760x256xf32, #tpu.memory_space<vmem>>, vector<1x760x256xf32>
    %swap3A_68 = vector.shape_cast %swap3A_67 : vector<1x760x256xf32> to vector<760x256xf32>
    %swap3A_69 = vector.shape_cast %get3A_63 : vector<760x256xf32> to vector<1x760x256xf32>
    tpu.vector_store %arg1[%swap3A_64, %swap3A_65, %swap3A_66], %swap3A_69 {strides = array<i32>} : memref<8x760x256xf32, #tpu.memory_space<vmem>>, vector<1x760x256xf32>,
    return
  }
}

</mosaic_0001>

<sc_bundles>
// kernel: kernel.4.cloned.1.call-start
scs
__scs_entry_jumppad:
0x0: {  	(pc) =	sbr.rel $0x88, $3  }
0x1: {  	(tag) =	ssettag $0x0;
	lr =	simm.s32 $0x1  }
0x2: {  	[smem:$0x3FA0] =	sst lr;
	_ =	strace $0xD0000000  }
0x3: {  	_ = 	snop  }
0x4: {  	_ = 	snop  }
0x5: {  	_ = 	snop  }
0x6: {  	_ = 	snop  }
0x7: {  	_ = 	snop  }
__scs_overlays_trampoline_lowered:
0x8: {  	[smem:$0x3FAF] =	sst s0  }
0x9: {  	[smem:$0x3FB0] =	sst s1  }
0xa: {  	[smem:$0x3FB1] =	sst s2  }
0xb: {  	[smem:$0x3FB2] =	sst s3  }
0xc: {  	[smem:$0x3FB3] =	sst s4  }
0xd: {  	[smem:$0x3FB4] =	sst s5  }
0xe: {  	[smem:$0x3FB5] =	sst s6  }
0xf: {  	[smem:$0x3FB6] =	sst s7  }
0x10: {  	[smem:$0x3FB7] =	sst s8  }
0x11: {  	[smem:$0x3FB8] =	sst s9;
	s0 =	simm.s32 @!p0 $0x0  }
0x12: {  	s1 =	sld [smem:$0x3F9E];
	s0 =	simm.s32 @p0 $0x1  }
0x13: {  	[smem:$0x3FB9] =	sst s0;
	s0 =	simm.s32 @!p1 $0x0  }
0x14: {  	s2 =	sld [smem:$0x3F9D];
	s0 =	simm.s32 @p1 $0x1  }
0x15: {  	[smem:$0x3FBA] =	sst s0;
	s0 =	simm.s32 @!p2 $0x0  }
0x16: {  	s3 =	sld [smem:$0x3FDB];
	s0 =	simm.s32 @p2 $0x1  }
0x17: {  	s4 =	simm.s32 $0x1BF5;
	[smem:$0x3FBC] =	sst s0  }
0x18: {  	s0 =	sld [smem:$0x3F9F];
	_ =	swait.ge [sflag:s4], $0x0  }
0x19: {  	s7 =	sld [smem:$0x3FA0]  }
0x1a: {  	s8 =	sadd.s32 $0xFFFFE003, lr  }
0x1b: {  	s9 =	sadd.s32 $0xFFFFFEF7, lr;
	s5 =	simm.s32 $0xFFFFFFFF;
	p2 =	slt.u32 s8, $0xFFFFF086  }
0x1c: {  	p1 =	slt.u32 s9, $0xF7A;
	s5 =	simm.s32 @!p2 $0x0  }
0x1d: {  	s5 =	simm.s32 @p1 $0x1;
	p0 =	seq.s32 s7, s2  }
0x1e: {  	s7 =	smul.u32 @!p0 $0xF7A, s2;
	p2 =	seq.s32 @!p0 s5, $0x0  }
0x1f: {  	s9 =	smul.u32 $0xF7A, s1;
	s8 =	simm.s32 @!p0 $0x1BF5;
	p2 =	por !p2, p0  }
0x20: {  	[sflag:s8] =	ssyncset.s32 @!p0 $0xFFFFF086;
	s6 =	sadd.s32 @!p0 s3, s7;
	s7 =	simm.s32 @!p0 $0x108  }
0x21: {  	s3 =	sadd.s32 s3, s9;
	s6 =	sadd.s32 @!p0 $0x88, s6;
	s7 =	simm.s32 @p2 $0x1082  }
0x22: {  	[simem:s7], [sflag:s8] =	dma.local @!p0 [hbm:s6], $0xF7A  }
0x23: {  	s9 =	sor.u32 $0xD0000000, s2;
	s6 =	simm.s32 $0x108;
	_ =	swait.ge @!p0 [sflag:s8], $0x0  }
0x24: {  	s3 =	sadd.s32 $0x88, s3;
	s6 =	simm.s32 @!p1 $0x1082;
	[sflag:s4] =	ssyncset.s32 $0xFFFFF086  }
0x25: {  	[simem:s6], [sflag:s4] =	dma.local [hbm:s3], $0xF7A  }
0x26: {  	[smem:$0x3FA0] =	sst s1;
	(tag) =	ssettag s2;
	_ =	strace s9  }
0x27: {  	s1 =	sld [smem:$0x3FB0]  }
0x28: {  	s2 =	sld [smem:$0x3FB1]  }
0x29: {  	s4 =	sld [smem:$0x3FB3]  }
0x2a: {  	p0 =	seq.s32 s5, $0x0;
	s5 =	sld [smem:$0x3FB4]  }
0x2b: {  	s6 =	sld [smem:$0x3FB5]  }
0x2c: {  	s7 =	sld [smem:$0x3FB6]  }
0x2d: {  	s3 =	simm.s32 $0x108;
	s8 =	sld [smem:$0x3FB7]  }
0x2e: {  	s3 =	simm.s32 @!p0 $0x1082;
	s9 =	sld [smem:$0x3FB8]  }
0x2f: {  	lr =	sadd.s32 s0, s3;
	s0 =	sld [smem:$0x3FAF]  }
0x30: {  	s3 =	sld [smem:$0x3FB2]  }
0x31: {  	[smem:$0x3FBB] =	sst s10  }
0x32: {  	s10 =	sld [smem:$0x3FB9];
	_ =	sdelay $0x3  }
0x33: {  	p0 =	seq.s32 s10, $0x1;
	s10 =	sld [smem:$0x3FBB];
	_ =	sdelay $0x3  }
0x34: {  	[smem:$0x3FBB] =	sst s10  }
0x35: {  	s10 =	sld [smem:$0x3FBA];
	_ =	sdelay $0x3  }
0x36: {  	p1 =	seq.s32 s10, $0x1;
	s10 =	sld [smem:$0x3FBB];
	_ =	sdelay $0x3  }
0x37: {  	[smem:$0x3FBB] =	sst s10  }
0x38: {  	s10 =	sld [smem:$0x3FBC]  }
0x39: {  	_ = 	snop;
	(pc) =	sbr.ind lr, $3  }
0x3a: {  	_ = 	snop  }
0x3b: {  	_ = 	snop  }
0x3c: {  	p2 =	seq.s32 s10, $0x1;
	s10 =	sld [smem:$0x3FBB]  }
0x3d: {  	_ =	shalt  }
0x3e: {  	_ =	shalt  }
0x3f: {  	_ =	shalt  }
0x40: {  	_ =	shalt  }
0x41: {  	_ =	shalt  }
0x42: {  	_ =	shalt  }
0x43: {  	_ =	shalt  }
0x44: {  	_ =	shalt  }
0x45: {  	_ =	shalt  }
0x46: {  	_ =	shalt  }
0x47: {  	_ =	shalt  }
0x48: {  	_ =	shalt  }
0x49: {  	_ =	shalt  }
0x4a: {  	_ =	shalt  }
0x4b: {  	_ =	shalt  }
0x4c: {  	_ =	shalt  }
0x4d: {  	_ =	shalt  }
0x4e: {  	_ =	shalt  }
0x4f: {  	_ =	shalt  }
0x50: {  	_ =	shalt  }
0x51: {  	_ =	shalt  }
0x52: {  	_ =	shalt  }
0x53: {  	_ =	shalt  }
0x54: {  	_ =	shalt  }
0x55: {  	_ =	shalt  }
0x56: {  	_ =	shalt  }
0x57: {  	_ =	shalt  }
0x58: {  	_ =	shalt  }
0x59: {  	_ =	shalt  }
0x5a: {  	_ =	shalt  }
0x5b: {  	_ =	shalt  }
0x5c: {  	_ =	shalt  }
0x5d: {  	_ =	shalt  }
0x5e: {  	_ =	shalt  }
0x5f: {  	_ =	shalt  }
0x60: {  	_ =	shalt  }
0x61: {  	_ =	shalt  }
0x62: {  	_ =	shalt  }
0x63: {  	_ =	shalt  }
0x64: {  	_ =	shalt  }
0x65: {  	_ =	shalt  }
0x66: {  	_ =	shalt  }
0x67: {  	_ =	shalt  }
0x68: {  	_ =	shalt  }
0x69: {  	_ =	shalt  }
0x6a: {  	_ =	shalt  }
0x6b: {  	_ =	shalt  }
0x6c: {  	_ =	shalt  }
0x6d: {  	_ =	shalt  }
0x6e: {  	_ =	shalt  }
0x6f: {  	_ =	shalt  }
0x70: {  	_ =	shalt  }
0x71: {  	_ =	shalt  }
0x72: {  	_ =	shalt  }
0x73: {  	_ =	shalt  }
0x74: {  	_ =	shalt  }
0x75: {  	_ =	shalt  }
0x76: {  	_ =	shalt  }
0x77: {  	_ =	shalt  }
0x78: {  	_ =	shalt  }
0x79: {  	_ =	shalt  }
0x7a: {  	_ =	shalt  }
0x7b: {  	_ =	shalt  }
0x7c: {  	_ =	shalt  }
0x7d: {  	_ =	shalt  }
0x7e: {  	_ =	shalt  }
0x7f: {  	_ =	shalt  }
0x80: {  	_ =	shalt  }
0x81: {  	_ =	shalt  }
0x82: {  	_ =	shalt  }
0x83: {  	_ =	shalt  }
0x84: {  	_ =	shalt  }
0x85: {  	_ =	shalt  }
0x86: {  	_ =	shalt  }
0x87: {  	_ =	shalt  }
.Lfunc_end0:
.L_simem_size_0:
called_computation_lowered:
.L_overlay_start_0:
0x88: {  	s2 =	sld [smem:$0x3FD9]  }
0x89: {  	s3 =	sld [smem:$0x3FFE];
	_ =	sdelay $0x1  }
0x8a: {  	s1 =	srdreg.scid  }
0x8b: {  	s0 =	sand.u32 $0x1, s1  }
0x8c: {  	s17 =	sshll.u32 s0, $0xA;
	s2 =	sadd.s32 s3, s2  }
0x8d: {  	s2 =	sadd.s32 s2, s17  }
0x8e: {  	[smem:$0x3FC7] =	sst s2  }
0x8f: {  	_ = 	snop  }
0x90: {  	s2 =	sld [smem:$0x3FD0];
	(tm) =	ssettm $0x1  }
0x91: {  	s18 =	sld [smem:$0x3FFB];
	_ =	sdelay $0x3  }
0x92: {  	_ =	strace s18  }
0x93: {  	s3 =	sld [smem:$0x3FFC];
	_ =	sdelay $0x3  }
0x94: {  	_ =	strace s3  }
0x95: {  	s3 =	sld [smem:$0x3FFD];
	_ =	sdelay $0x3  }
0x96: {  	_ =	strace s3  }
0x97: {  	_ =	strace $0x8FFFFFFF  }
0x98: {  	s19 =	sld [smem:$0x3FDB];
	_ =	sdelay $0x1  }
0x99: {  	s4 =	simm.s32 $_scs_section_size  }
0x9a: {  	s5 =	simm.s32 $_size__tile_overlayer_lowered;
	s6 =	simm.s32 $_tile_overlayer_lowered  }
0x9b: {  	s22 =	simm.s32 $0x1BFF;
	s21 =	sshll.u32 s6, $0x1;
	s3 =	sadd.s32 s4, s19  }
0x9c: {  	s7 =	simm.s32 $0x0;
	s20 =	sshll.u32 s5, $0x1;
	s5 =	sadd.s32 s21, s3  }
0x9d: {  	[timem:s7], [sflag:s22] =	dma.local [hbm:s5], s20  }
0x9e: {  	_ =	swait.ge [sflag:s22], s20  }
0x9f: {  	s4 =	ssub.s32 $0x0, s20;
	[sflag:s22] =	ssyncset.done $0x0  }
0xa0: {  	[sflag:s22] =	ssyncadd.s32 s4;
	_ =	sdelay $0x1  }
0xa1: {  	s23 =	simm.s32 $0x1B8B  }
0xa2: {  	_ =	swait.ge [sflag:s23], $0x1  }
0xa3: {  	[sflag:s23] =	ssyncset.done $0x0  }
0xa4: {  	s25 =	simm.s32 $0x1B8E;
	s24 =	sld [smem:$0x3FFE];
	[sflag:s23] =	ssyncadd.s32 $0xFFFFFFFF  }
0xa5: {  	s26 =	simm.s32 $execute0_lowered;
	[smem:$0x3FD2] =	sst s25  }
0xa6: {  	s5 =	sshll.u32 s26, $0x1;
	_ =	strace $0x80000046;
	[dreg:$0x1] =	wrdreg $0xFFFFFFFF  }
0xa7: {  	s28 =	simm.s32 $_size_execute0_lowered;
	s3 =	sadd.s32 s3, s5;
	[dreg:$0x0] =	wrdreg $0x0  }
0xa8: {  	s5 =	sshll.u32 s28, $0x1;
	[dreg:$0x2] =	wrdreg s3  }
0xa9: {  	[dreg:$0x3] =	wrdreg s5  }
0xaa: {  	[dreg:$0x4] =	wrdreg $0xC0  }
0xab: {  	_ =	task [dreg:s7], $0x5FFFF  }
0xac: {  	[dreg:$0x1] =	wrdreg $0xFFFFFFFF  }
0xad: {  	[dreg:$0x0] =	wrdreg $0x60  }
0xae: {  	[dreg:$0x2] =	wrdreg s24  }
0xaf: {  	[dreg:$0x3] =	wrdreg s2  }
0xb0: {  	[dreg:$0x4] =	wrdreg $0x9  }
0xb1: {  	_ =	task.clear_ibuf [dreg:s7], $0x5FFFF;
	_ =	strace $0x90000046  }
0xb2: {  	s29 =	simm.s32 $0x9;
	_ =	strace $0x80000048  }
0xb3: {  	_ =	swait.ge [sflag:s29], $0x1  }
0xb4: {  	[sflag:s29] =	ssyncadd.s32 $0xFFFFFFFF  }
0xb5: {  	_ =	strace $0x90000048  }
0xb6: {  	_ =	sfence  }
0xb7: {  	s30 =	sld [smem:$0x0];
	_ =	sdelay $0x2  }
0xb8: {  	s31 =	sshll.u32 s1, $0xD;
	s1 =	sshrl.u32 s1, $0x2  }
0xb9: {  	s3 =	sand.u32 $0x4000, s31;
	s1 =	sadd.s32 s1, s30  }
0xba: {  	s0 =	sor.u32 s3, s0;
	s1 =	sshll.u32 s1, $0x11  }
0xbb: {  	s0 =	sor.u32 s1, s0  }
0xbc: {  	s0 =	sadd.s32 $0x8F2B, s0  }
0xbd: {  	[sflag:s0] =	ssyncadd.remote.s32 $0x1  }
0xbe: {  	_ =	sfence.sel $0xFFFF  }
0xbf: {  	[dreg:$0x0] =	wrdreg $0xFFFFFFFF;
	(pc) =	sbr.abs _section_cstart, $3  }
0xc0: {  	[dreg:$0x1] =	wrdreg $0xFFFFFFFF  }
0xc1: {  	_ =	task.clear_ibuf [dreg:s7], $0x2FFFF;
	_ =	strace $0x9FFFFFFF  }
0xc2: {  	(tm) =	ssettm $0x7FFFFFFF  }
0xc3: {  	_ =	shalt  }
tec
execute0_lowered:
.L_overlay_start_1:
0x0: {  	(tag) =	ssettag $0x1  }
0x1: {  	s0 =	stileid.u32  }
0x2: {  	s1 =	srdreg.scid;
	s2 =	sshll.u32 s0, $0x1  }
0x3: {  	s30 =	sand.u32 $0x1, s1;
	s25 =	sshrl.u32 s0, $0x2;
	s24 =	sand.u32 $0x6, s2  }
0x4: {  	s4 =	smul.u32 $0xFFFFA000, s25;
	s3 =	sor.u32 s30, s24  }
0x5: {  	s1 =	smul.u32 $0x2F800, s3  }
0x6: {  	s5 =	rddreg [dreg:$0x0];
	s7 =	smul.u32 $0x60, s25  }
0x7: {  	s6 =	rddreg [dreg:$0x1];
	s4 =	sadd.s32 s1, s4  }
0x8: {  	s2 =	simm.s32 $0x0;
	s7 =	sor.u32 s7, s3;
	s4 =	sadd.s32 $0x12000, s4  }
0x9: {  	[smem:$0x7FF] =	sst s2;
	s31 =	smul.u32 $0x3000, s7;
	s4 =	sshrl.u32 s4, $0x3  }
0xa: {  	s7 =	smul.u32 $0x18000, s7;
	s1 =	rddreg [dreg:$0x2];
	s26 =	sadd.s32 s4, s5  }
0xb: {  	_ =	strace $0x80000047;
	s4 =	simm.s32 $0x2;
	s3 =	sadd.s32 $0x800, s26  }
0xc: {  	[tilespmem:s2], [sflag:$0x2] =	stream.linear.gather [hbm4b:s3+s2], $0x1D800, $0x38;
	[tilespmem:$0x1D800] =	vst v63  }
0xd: {  	s7 =	sshrl.u32 s7, $0x3;
	_ =	swait.ge [sflag:s4], $0x1D800  }
0xe: {  	s28 =	sadd.s32 s6, s7;
	[sflag:s4] =	ssyncset.done $0x0  }
0xf: {  	s5 =	sadd.s32 s6, s31;
	s6 =	simm.s32 $0x5800;
	[sflag:s4] =	ssyncadd.s32 $0xFFFE2800  }
0x10: {  	[hbm4b:s5+s2] =	stream.linear.scatter [tilespmem:s6], [sflag:$0x1], $0x18000, $0x38;
	[tilespmem:$0x1D800] =	vst v63  }
0x11: {  	s8 =	simm.s32 $0x5000;
	s7 =	sadd.s32 $0x18000, s28  }
0x12: {  	[hbm4b:s7+s2] =	stream.linear.scatter [tilespmem:s8], [sflag:$0x1], $0x18000, $0x38;
	[tilespmem:$0x1D800] =	vst v63  }
0x13: {  	s10 =	simm.s32 $0x4800;
	s9 =	sadd.s32 $0x30000, s28  }
0x14: {  	[hbm4b:s9+s2] =	stream.linear.scatter [tilespmem:s10], [sflag:$0x1], $0x18000, $0x38;
	[tilespmem:$0x1D800] =	vst v63  }
0x15: {  	s12 =	simm.s32 $0x4000;
	s11 =	sadd.s32 $0x48000, s28  }
0x16: {  	[hbm4b:s11+s2] =	stream.linear.scatter [tilespmem:s12], [sflag:$0x1], $0x18000, $0x38;
	[tilespmem:$0x1D800] =	vst v63  }
0x17: {  	s14 =	simm.s32 $0x3800;
	s13 =	sadd.s32 $0x60000, s28  }
0x18: {  	[hbm4b:s13+s2] =	stream.linear.scatter [tilespmem:s14], [sflag:$0x1], $0x18000, $0x38;
	[tilespmem:$0x1D800] =	vst v63  }
0x19: {  	s16 =	simm.s32 $0x3000;
	s15 =	sadd.s32 $0x78000, s28  }
0x1a: {  	[hbm4b:s15+s2] =	stream.linear.scatter [tilespmem:s16], [sflag:$0x1], $0x18000, $0x38;
	[tilespmem:$0x1D800] =	vst v63  }
0x1b: {  	s18 =	simm.s32 $0x2800;
	s17 =	sadd.s32 $0x90000, s28  }
0x1c: {  	[hbm4b:s17+s2] =	stream.linear.scatter [tilespmem:s18], [sflag:$0x1], $0x18000, $0x38;
	[tilespmem:$0x1D800] =	vst v63  }
0x1d: {  	s20 =	simm.s32 $0x2000;
	s19 =	sadd.s32 $0xA8000, s28  }
0x1e: {  	[hbm4b:s19+s2] =	stream.linear.scatter [tilespmem:s20], [sflag:$0x1], $0x18000, $0x38;
	[tilespmem:$0x1D800] =	vst v63  }
0x1f: {  	s22 =	simm.s32 $0x1800;
	s21 =	sadd.s32 $0xC0000, s28  }
0x20: {  	[hbm4b:s21+s2] =	stream.linear.scatter [tilespmem:s22], [sflag:$0x1], $0x18000, $0x38;
	[tilespmem:$0x1D800] =	vst v63  }
0x21: {  	s24 =	simm.s32 $0x1000;
	s23 =	sadd.s32 $0xD8000, s28  }
0x22: {  	[hbm4b:s23+s2] =	stream.linear.scatter [tilespmem:s24], [sflag:$0x1], $0x18000, $0x38;
	[tilespmem:$0x1D800] =	vst v63  }
0x23: {  	s25 =	sadd.s32 $0xF0000, s28;
	s26 =	simm.s32 $0x800  }
0x24: {  	[hbm4b:s25+s2] =	stream.linear.scatter [tilespmem:s26], [sflag:$0x1], $0x18000, $0x38;
	[tilespmem:$0x1D800] =	vst v63  }
0x25: {  	s29 =	simm.s32 $0x1;
	s28 =	sadd.s32 $0x108000, s28  }
0x26: {  	[hbm4b:s28+s2] =	stream.linear.scatter [tilespmem:s2], [sflag:$0x1], $0x18000, $0x38;
	[tilespmem:$0x1D800] =	vst v63  }
0x27: {  	_ =	swait.ge [sflag:s29], $0x18000  }
0x28: {  	[sflag:s29] =	ssyncset.done $0x0  }
0x29: {  	[sflag:s29] =	ssyncadd.s32 $0xFFFE8000  }
0x2a: {  	_ =	swait.ge [sflag:s29], $0x18000  }
0x2b: {  	[sflag:s29] =	ssyncset.done $0x0  }
0x2c: {  	[sflag:s29] =	ssyncadd.s32 $0xFFFE8000  }
0x2d: {  	_ =	swait.ge [sflag:s29], $0x18000  }
0x2e: {  	[sflag:s29] =	ssyncset.done $0x0  }
0x2f: {  	[sflag:s29] =	ssyncadd.s32 $0xFFFE8000  }
0x30: {  	_ =	swait.ge [sflag:s29], $0x18000  }
0x31: {  	[sflag:s29] =	ssyncset.done $0x0  }
0x32: {  	[sflag:s29] =	ssyncadd.s32 $0xFFFE8000  }
0x33: {  	_ =	swait.ge [sflag:s29], $0x18000  }
0x34: {  	[sflag:s29] =	ssyncset.done $0x0  }
0x35: {  	[sflag:s29] =	ssyncadd.s32 $0xFFFE8000  }
0x36: {  	_ =	swait.ge [sflag:s29], $0x18000  }
0x37: {  	[sflag:s29] =	ssyncset.done $0x0  }
0x38: {  	[sflag:s29] =	ssyncadd.s32 $0xFFFE8000  }
0x39: {  	_ =	swait.ge [sflag:s29], $0x18000  }
0x3a: {  	[sflag:s29] =	ssyncset.done $0x0  }
0x3b: {  	[sflag:s29] =	ssyncadd.s32 $0xFFFE8000  }
0x3c: {  	_ =	swait.ge [sflag:s29], $0x18000  }
0x3d: {  	[sflag:s29] =	ssyncset.done $0x0  }
0x3e: {  	[sflag:s29] =	ssyncadd.s32 $0xFFFE8000  }
0x3f: {  	_ =	swait.ge [sflag:s29], $0x18000  }
0x40: {  	s30 =	ssub.s32 $0x2, s30;
	[sflag:s29] =	ssyncset.done $0x0  }
0x41: {  	s31 =	sshrl.u32 s30, $0x1;
	[sflag:s29] =	ssyncadd.s32 $0xFFFE8000  }
0x42: {  	s30 =	ssub.s32 s30, s31;
	_ =	swait.ge [sflag:s29], $0x18000  }
0x43: {  	s30 =	smax.u32 s30, $0x1;
	[sflag:s29] =	ssyncset.done $0x0  }
0x44: {  	p0 =	sne.s32 s30, $0x1;
	[sflag:s29] =	ssyncadd.s32 $0xFFFE8000  }
.Ltmp0:
0x45: {  	_ =	swait.ge [sflag:s29], $0x18000;
	(pc) =	sbr.rel @!p0 .LBB2_2-.Ltmp0, $4  }
0x46: {  	[sflag:s29] =	ssyncset.done $0x0  }
0x47: {  	[sflag:s29] =	ssyncadd.s32 $0xFFFE8000  }
0x48: {  	_ =	swait.ge [sflag:s29], $0x18000  }
0x49: {  	s30 =	sadd.s32 $0xFFFFFFFF, s30;
	[sflag:s29] =	ssyncset.done $0x0  }
.LBB2_1:
0x4a: {  	p0 =	sne.s32 s30, $0x1;
	s30 =	sadd.s32 $0xFFFFFFFF, s30;
	[sflag:s29] =	ssyncadd.s32 $0xFFFE8000  }
0x4b: {  	[tilespmem:s2], [sflag:$0x2] =	stream.linear.gather [hbm4b:s3+s2], $0x1D800, $0x38;
	[tilespmem:$0x1D800] =	vst v63  }
0x4c: {  	_ =	swait.ge [sflag:s4], $0x1D800  }
0x4d: {  	[sflag:s4] =	ssyncset.done $0x0  }
0x4e: {  	[sflag:s4] =	ssyncadd.s32 $0xFFFE2800  }
0x4f: {  	[hbm4b:s5+s2] =	stream.linear.scatter [tilespmem:s6], [sflag:$0x1], $0x18000, $0x38;
	[tilespmem:$0x1D800] =	vst v63  }
0x50: {  	_ = 	snop  }
0x51: {  	[hbm4b:s7+s2] =	stream.linear.scatter [tilespmem:s8], [sflag:$0x1], $0x18000, $0x38;
	[tilespmem:$0x1D800] =	vst v63  }
0x52: {  	_ = 	snop  }
0x53: {  	[hbm4b:s9+s2] =	stream.linear.scatter [tilespmem:s10], [sflag:$0x1], $0x18000, $0x38;
	[tilespmem:$0x1D800] =	vst v63  }
0x54: {  	_ = 	snop  }
0x55: {  	[hbm4b:s11+s2] =	stream.linear.scatter [tilespmem:s12], [sflag:$0x1], $0x18000, $0x38;
	[tilespmem:$0x1D800] =	vst v63  }
0x56: {  	_ = 	snop  }
0x57: {  	[hbm4b:s13+s2] =	stream.linear.scatter [tilespmem:s14], [sflag:$0x1], $0x18000, $0x38;
	[tilespmem:$0x1D800] =	vst v63  }
0x58: {  	_ = 	snop  }
0x59: {  	[hbm4b:s15+s2] =	stream.linear.scatter [tilespmem:s16], [sflag:$0x1], $0x18000, $0x38;
	[tilespmem:$0x1D800] =	vst v63  }
0x5a: {  	_ = 	snop  }
0x5b: {  	[hbm4b:s17+s2] =	stream.linear.scatter [tilespmem:s18], [sflag:$0x1], $0x18000, $0x38;
	[tilespmem:$0x1D800] =	vst v63  }
0x5c: {  	_ = 	snop  }
0x5d: {  	[hbm4b:s19+s2] =	stream.linear.scatter [tilespmem:s20], [sflag:$0x1], $0x18000, $0x38;
	[tilespmem:$0x1D800] =	vst v63  }
0x5e: {  	_ = 	snop  }
0x5f: {  	[hbm4b:s21+s2] =	stream.linear.scatter [tilespmem:s22], [sflag:$0x1], $0x18000, $0x38;
	[tilespmem:$0x1D800] =	vst v63  }
0x60: {  	_ = 	snop  }
0x61: {  	[hbm4b:s23+s2] =	stream.linear.scatter [tilespmem:s24], [sflag:$0x1], $0x18000, $0x38;
	[tilespmem:$0x1D800] =	vst v63  }
0x62: {  	_ = 	snop  }
0x63: {  	[hbm4b:s25+s2] =	stream.linear.scatter [tilespmem:s26], [sflag:$0x1], $0x18000, $0x38;
	[tilespmem:$0x1D800] =	vst v63  }
0x64: {  	_ = 	snop  }
0x65: {  	[hbm4b:s28+s2] =	stream.linear.scatter [tilespmem:s2], [sflag:$0x1], $0x18000, $0x38;
	[tilespmem:$0x1D800] =	vst v63  }
0x66: {  	_ =	swait.ge [sflag:s29], $0x18000  }
0x67: {  	[sflag:s29] =	ssyncset.done $0x0  }
0x68: {  	[sflag:s29] =	ssyncadd.s32 $0xFFFE8000  }
0x69: {  	_ =	swait.ge [sflag:s29], $0x18000  }
0x6a: {  	[sflag:s29] =	ssyncset.done $0x0  }
0x6b: {  	[sflag:s29] =	ssyncadd.s32 $0xFFFE8000  }
0x6c: {  	_ =	swait.ge [sflag:s29], $0x18000  }
0x6d: {  	[sflag:s29] =	ssyncset.done $0x0  }
0x6e: {  	[sflag:s29] =	ssyncadd.s32 $0xFFFE8000  }
0x6f: {  	_ =	swait.ge [sflag:s29], $0x18000  }
0x70: {  	[sflag:s29] =	ssyncset.done $0x0  }
0x71: {  	[sflag:s29] =	ssyncadd.s32 $0xFFFE8000  }
0x72: {  	_ =	swait.ge [sflag:s29], $0x18000  }
0x73: {  	[sflag:s29] =	ssyncset.done $0x0  }
0x74: {  	[sflag:s29] =	ssyncadd.s32 $0xFFFE8000  }
0x75: {  	_ =	swait.ge [sflag:s29], $0x18000  }
0x76: {  	[sflag:s29] =	ssyncset.done $0x0  }
0x77: {  	[sflag:s29] =	ssyncadd.s32 $0xFFFE8000  }
0x78: {  	_ =	swait.ge [sflag:s29], $0x18000  }
0x79: {  	[sflag:s29] =	ssyncset.done $0x0  }
0x7a: {  	[sflag:s29] =	ssyncadd.s32 $0xFFFE8000  }
0x7b: {  	_ =	swait.ge [sflag:s29], $0x18000  }
0x7c: {  	[sflag:s29] =	ssyncset.done $0x0  }
0x7d: {  	[sflag:s29] =	ssyncadd.s32 $0xFFFE8000  }
0x7e: {  	_ =	swait.ge [sflag:s29], $0x18000  }
0x7f: {  	[sflag:s29] =	ssyncset.done $0x0  }
0x80: {  	[sflag:s29] =	ssyncadd.s32 $0xFFFE8000  }
0x81: {  	_ =	swait.ge [sflag:s29], $0x18000  }
0x82: {  	[sflag:s29] =	ssyncset.done $0x0  }
0x83: {  	[sflag:s29] =	ssyncadd.s32 $0xFFFE8000  }
.Ltmp1:
0x84: {  	_ =	swait.ge [sflag:s29], $0x18000;
	(pc) =	sbr.rel @p0 .LBB2_1-.Ltmp1, $4  }
0x85: {  	[sflag:s29] =	ssyncset.done $0x0  }
0x86: {  	[sflag:s29] =	ssyncadd.s32 $0xFFFE8000  }
0x87: {  	_ =	swait.ge [sflag:s29], $0x18000  }
0x88: {  	[sflag:s29] =	ssyncset.done $0x0  }
.LBB2_2:
0x89: {  	[sflag:s29] =	ssyncadd.s32 $0xFFFE8000  }
0x8a: {  	_ =	sfence.sel $0x180000  }
0x8b: {  	[bflag:$0x0] =	sbarrier.arrive $0xFFFF  }
0x8c: {  	p0 =	sne.s32 s0, $0x0;
	_ =	strace $0x90000047  }
0x8d: {  	s0 =	sadd.s32 @!p0 $0x100000, s1;
	[bflag:$0x2] =	sbarrier.arrive $0xFFFF  }
0x8e: {  	[sflag:s0] =	ssyncadd.tile.s32 @!p0 $0x1;
	_ =	shalt  }
.Lfunc_end2:
_tile_overlayer_lowered:
.L_overlay_start_2:
0x8f: {  	(tag) =	ssettag $0x2  }
0x90: {  	s0 =	rddreg [dreg:$0x0];
	s2 =	stileid.u32  }
0x91: {  	s1 =	rddreg [dreg:$0x1];
	p0 =	sne.s32 s2, $0x0  }
0x92: {  	s3 =	rddreg [dreg:$0x2];
	[bflag:$0x3] =	sbarrier.arrive $0xFFFF;
	s2 =	simm.s32 @!p0 $0x1C02  }
0x93: {  	[timem:s3], [sflag:s2] =	dma.local @!p0 [hbm:s0], s1  }
0x94: {  	s0 =	simm.s32 @!p0 $0x2  }
0x95: {  	_ =	swait.ge @!p0 [sflag:s0], s1  }
0x96: {  	s1 =	ssub.s32 @!p0 $0x0, s1;
	[sflag:s0] =	ssyncset.done @!p0 $0x0  }
0x97: {  	[sflag:s0] =	ssyncadd.s32 @!p0 s1  }
0x98: {  	[bflag:$0x3] =	sbarrier.arrive $0xFFFF  }
0x99: {  	_ =	shalt  }

</sc_bundles>
